<compile_context>
chip_gen: v7x
topology: tpu7x:2x2x1
jax: 0.10.2.dev20260603
libtpu: 0.0.44.dev20260713+nightly
codegen_flags: <defaults>
</compile_context>

<pallas_src>
import functools

import jax
import jax.numpy as jnp
from jax import lax
from jax.experimental import pallas as pl
from jax.experimental.pallas import tpu as pltpu
from jax.experimental.pallas import tpu_sc as plsc


@functools.cache
def _make_kernel(B, D):
    info = plsc.get_sparse_core_info()
    NC, NS = info.num_cores, info.num_subcores
    NW = NC * NS
    b_per_w = B // NW
    CH = 128
    n_ch = b_per_w // CH
    NSLOT = 3

    mesh = plsc.VectorSubcoreMesh(core_axis_name="c", subcore_axis_name="s")

    @functools.partial(
        pl.kernel,
        mesh=mesh,
        out_type=jax.ShapeDtypeStruct((B, D), jnp.float32),
        scratch_types=[
            pltpu.VMEM((b_per_w,), jnp.int32),
            pltpu.VMEM((b_per_w,), jnp.int32),
            pltpu.VMEM((NSLOT, CH, D), jnp.float32),
        ]
        + [pltpu.SemaphoreType.DMA] * n_ch
        + [pltpu.SemaphoreType.DMA] * NSLOT
        + [pltpu.SemaphoreType.DMA] * NSLOT,
    )
    def k(lf_hbm, seg_hbm, bidx_hbm, out_hbm, bidx_v, segid_v, rows_v,
          *sems):
        ssem = sems[:n_ch]
        gsem = sems[n_ch:n_ch + NSLOT]
        wsem = sems[n_ch + NSLOT:]
        wid = lax.axis_index("c") * NS + lax.axis_index("s")
        base = wid * b_per_w

        pltpu.sync_copy(bidx_hbm.at[pl.ds(base, b_per_w)], bidx_v)

        s = [
            pltpu.async_copy(
                seg_hbm.at[bidx_v.at[pl.ds(j * CH, CH)]],
                segid_v.at[pl.ds(j * CH, CH)],
                ssem[j],
            )
            for j in range(n_ch)
        ]

        def fire_gather(j):
            return pltpu.async_copy(
                lf_hbm.at[segid_v.at[pl.ds(j * CH, CH)]],
                rows_v.at[j % NSLOT],
                gsem[j % NSLOT],
            )

        def fire_write(j):
            return pltpu.async_copy(
                rows_v.at[j % NSLOT],
                out_hbm.at[pl.ds(base + j * CH, CH)],
                wsem[j % NSLOT],
            )

        g = [None] * n_ch
        w = [None] * n_ch
        for j in range(n_ch):
            s[j].wait()
            if j >= NSLOT:
                w[j - NSLOT].wait()
            g[j] = fire_gather(j)
            if j >= 1:
                g[j - 1].wait()
                w[j - 1] = fire_write(j - 1)
        g[n_ch - 1].wait()
        w[n_ch - 1] = fire_write(n_ch - 1)
        for j in range(max(0, n_ch - NSLOT), n_ch):
            w[j].wait()

    return k


def kernel(lf_list, lf_seg, batch_indices):
    B, D = batch_indices.shape[0], lf_list.shape[1]
    seg_flat = lf_seg.reshape(-1)
    return _make_kernel(B, D)(lf_list, seg_flat, batch_indices)

# --- scband reference (transcript-rebuilt; emitter-appended) ---
"""Pipeline reference for scband-camera-31464930410798 (READ-ONLY COPY).

The authoritative reference and input builder live on the scoring server;
editing this copy changes nothing except your own understanding.
"""

import jax, jax.numpy as jnp
import numpy as np

K = 4096        # number of language-feature segments (rows in lf_list)
D = 256         # feature dim
H = 512
W = 512
B = 16384       # lf_decoder_batch_size


def setup_inputs(seed: int = 0) -> dict:
    key = jax.random.key(seed)
    k1, k2, k3 = jax.random.split(key, 3)
    lf_list = jax.random.normal(k1, (K, D), dtype=jnp.float32)
    lf_seg = jax.random.randint(k2, (H, W), 0, K, dtype=jnp.int32)
    batch_indices = jax.random.randint(k3, (B,), 0, H * W, dtype=jnp.int32)
    return {"lf_list": lf_list, "lf_seg": lf_seg, "batch_indices": batch_indices}


def reference(lf_list, lf_seg, batch_indices):
    # Faithful translation of Camera.get_lf_decoder_batch core computation:
    #   batch_lf_list_indices = index_select(lf_seg.flatten(), 0, batch_indices)
    #   batch_features        = index_select(lf_list, 0, batch_lf_list_indices)
    seg_flat = lf_seg.reshape(-1)
    batch_lf_list_indices = jnp.take(seg_flat, batch_indices, axis=0)
    batch_features = jnp.take(lf_list, batch_lf_list_indices, axis=0)
    return batch_features

if __name__ == "__main__":
    import jax
    _d = setup_inputs()
    print(jax.jit(kernel)(*tuple(_d.values())))

</pallas_src>

<mosaic_0001>
#map = affine_map<(d0, d1) -> (0, 0)>
#map1 = affine_map<(d0, d1) -> (0)>
module attributes {stable_mosaic.version = 14 : i64} {
  func.func @k(%arg0: i32, %arg1: i32, %arg2: memref<4096x256xf32, #tpu.memory_space<hbm>>, %arg3: memref<262144xi32, #tpu.memory_space<hbm>>, %arg4: memref<16384xi32, #tpu.memory_space<hbm>>, %arg5: memref<16384x256xf32, #tpu.memory_space<hbm>>, %arg6: memref<512xi32, #tpu.memory_space<vmem>>, %arg7: memref<512xi32, #tpu.memory_space<vmem>>, %arg8: memref<3x128x256xf32, #tpu.memory_space<vmem>>, %arg9: memref<!tpu.dma_semaphore, #tpu.memory_space<semaphore_mem>>, %arg10: memref<!tpu.dma_semaphore, #tpu.memory_space<semaphore_mem>>, %arg11: memref<!tpu.dma_semaphore, #tpu.memory_space<semaphore_mem>>, %arg12: memref<!tpu.dma_semaphore, #tpu.memory_space<semaphore_mem>>, %arg13: memref<!tpu.dma_semaphore, #tpu.memory_space<semaphore_mem>>, %arg14: memref<!tpu.dma_semaphore, #tpu.memory_space<semaphore_mem>>, %arg15: memref<!tpu.dma_semaphore, #tpu.memory_space<semaphore_mem>>, %arg16: memref<!tpu.dma_semaphore, #tpu.memory_space<semaphore_mem>>, %arg17: memref<!tpu.dma_semaphore, #tpu.memory_space<semaphore_mem>>, %arg18: memref<!tpu.dma_semaphore, #tpu.memory_space<semaphore_mem>>) attributes {dimension_semantics = [#tpu.dimension_semantics<core_parallel>, #tpu.dimension_semantics<subcore_parallel>], iteration_bounds = array<i64: 2, 16>, scalar_prefetch = 0 : i64, scratch_operands = 13 : i64, tpu.core_type = #tpu.core_type<sc_vector_subcore>, window_params = [{transform_indices = #map}, {transform_indices = #map1}, {transform_indices = #map1}, {transform_indices = #map}]} {
    %mul3A = arith.constant 16 : i32
    %mul3A_0 = arith.muli %arg0, %mul3A : i32
    %add3A = arith.addi %mul3A_0, %arg1 : i32
    %mul3A_1 = arith.constant 512 : i32
    %mul3A_2 = arith.muli %add3A, %mul3A_1 : i32
    "tpu.region"() ({
      %run_scoped3A = tpu.sem_alloc : memref<!tpu.dma_semaphore, #tpu.memory_space<semaphore_mem>>
      %dma_start3A_241 = tpu.memref_slice %arg4[%mul3A_2] : memref<16384xi32, #tpu.memory_space<hbm>> -> memref<512xi32, #tpu.memory_space<hbm>>
      %dma_start3A_242 = tpu.memref_slice %arg4[%mul3A_2] : memref<16384xi32, #tpu.memory_space<hbm>> -> memref<512xi32, #tpu.memory_space<hbm>>
      tpu.enqueue_dma source(%dma_start3A_242 : memref<512xi32, #tpu.memory_space<hbm>>) target(%arg6 : memref<512xi32, #tpu.memory_space<vmem>>) target_semaphore(%run_scoped3A : memref<!tpu.dma_semaphore, #tpu.memory_space<semaphore_mem>>)
      %dma_wait3A_243 = tpu.memref_slice %arg4[%mul3A_2] : memref<16384xi32, #tpu.memory_space<hbm>> -> memref<512xi32, #tpu.memory_space<hbm>>
      %dma_wait3A_244 = tpu.memref_slice %arg4[%mul3A_2] : memref<16384xi32, #tpu.memory_space<hbm>> -> memref<512xi32, #tpu.memory_space<hbm>>
      tpu.wait_dma2 semaphore(%run_scoped3A : memref<!tpu.dma_semaphore, #tpu.memory_space<semaphore_mem>>) src(%dma_wait3A_244 : memref<512xi32, #tpu.memory_space<hbm>>) dst(%arg6 : memref<512xi32, #tpu.memory_space<vmem>>)
      tpu.yield
    }) : () -> ()
    %dma_start3A = arith.constant 0 : i32
    %dma_start3A_3 = tpu.memref_slice %arg7[%dma_start3A] : memref<512xi32, #tpu.memory_space<vmem>> -> memref<128xi32, #tpu.memory_space<vmem>>
    %dma_start3A_4 = arith.constant 0 : i32
    %dma_start3A_5 = tpu.memref_slice %arg6[%dma_start3A_4] : memref<512xi32, #tpu.memory_space<vmem>> -> memref<128xi32, #tpu.memory_space<vmem>>
    %dma_start3A_6 = arith.constant 0 : i32
    %dma_start3A_7 = tpu.memref_slice %arg3[%dma_start3A_6] : memref<262144xi32, #tpu.memory_space<hbm>> -> memref<262144xi32, #tpu.memory_space<hbm>>
    tpu.enqueue_indirect_dma source(%dma_start3A_7 : memref<262144xi32, #tpu.memory_space<hbm>>) target(%dma_start3A_3 : memref<128xi32, #tpu.memory_space<vmem>>) offsets(%dma_start3A_5 : memref<128xi32, #tpu.memory_space<vmem>>) semaphore(%arg9 : memref<!tpu.dma_semaphore, #tpu.memory_space<semaphore_mem>>)
    %dma_start3A_8 = arith.constant 128 : i32
    %dma_start3A_9 = tpu.memref_slice %arg7[%dma_start3A_8] : memref<512xi32, #tpu.memory_space<vmem>> -> memref<128xi32, #tpu.memory_space<vmem>>
    %dma_start3A_10 = arith.constant 128 : i32
    %dma_start3A_11 = tpu.memref_slice %arg6[%dma_start3A_10] : memref<512xi32, #tpu.memory_space<vmem>> -> memref<128xi32, #tpu.memory_space<vmem>>
    %dma_start3A_12 = arith.constant 0 : i32
    %dma_start3A_13 = tpu.memref_slice %arg3[%dma_start3A_12] : memref<262144xi32, #tpu.memory_space<hbm>> -> memref<262144xi32, #tpu.memory_space<hbm>>
    tpu.enqueue_indirect_dma source(%dma_start3A_13 : memref<262144xi32, #tpu.memory_space<hbm>>) target(%dma_start3A_9 : memref<128xi32, #tpu.memory_space<vmem>>) offsets(%dma_start3A_11 : memref<128xi32, #tpu.memory_space<vmem>>) semaphore(%arg10 : memref<!tpu.dma_semaphore, #tpu.memory_space<semaphore_mem>>)
    %dma_start3A_14 = arith.constant 256 : i32
    %dma_start3A_15 = tpu.memref_slice %arg7[%dma_start3A_14] : memref<512xi32, #tpu.memory_space<vmem>> -> memref<128xi32, #tpu.memory_space<vmem>>
    %dma_start3A_16 = arith.constant 256 : i32
    %dma_start3A_17 = tpu.memref_slice %arg6[%dma_start3A_16] : memref<512xi32, #tpu.memory_space<vmem>> -> memref<128xi32, #tpu.memory_space<vmem>>
    %dma_start3A_18 = arith.constant 0 : i32
    %dma_start3A_19 = tpu.memref_slice %arg3[%dma_start3A_18] : memref<262144xi32, #tpu.memory_space<hbm>> -> memref<262144xi32, #tpu.memory_space<hbm>>
    tpu.enqueue_indirect_dma source(%dma_start3A_19 : memref<262144xi32, #tpu.memory_space<hbm>>) target(%dma_start3A_15 : memref<128xi32, #tpu.memory_space<vmem>>) offsets(%dma_start3A_17 : memref<128xi32, #tpu.memory_space<vmem>>) semaphore(%arg11 : memref<!tpu.dma_semaphore, #tpu.memory_space<semaphore_mem>>)
    %dma_start3A_20 = arith.constant 384 : i32
    %dma_start3A_21 = tpu.memref_slice %arg7[%dma_start3A_20] : memref<512xi32, #tpu.memory_space<vmem>> -> memref<128xi32, #tpu.memory_space<vmem>>
    %dma_start3A_22 = arith.constant 384 : i32
    %dma_start3A_23 = tpu.memref_slice %arg6[%dma_start3A_22] : memref<512xi32, #tpu.memory_space<vmem>> -> memref<128xi32, #tpu.memory_space<vmem>>
    %dma_start3A_24 = arith.constant 0 : i32
    %dma_start3A_25 = tpu.memref_slice %arg3[%dma_start3A_24] : memref<262144xi32, #tpu.memory_space<hbm>> -> memref<262144xi32, #tpu.memory_space<hbm>>
    tpu.enqueue_indirect_dma source(%dma_start3A_25 : memref<262144xi32, #tpu.memory_space<hbm>>) target(%dma_start3A_21 : memref<128xi32, #tpu.memory_space<vmem>>) offsets(%dma_start3A_23 : memref<128xi32, #tpu.memory_space<vmem>>) semaphore(%arg12 : memref<!tpu.dma_semaphore, #tpu.memory_space<semaphore_mem>>)
    %dma_wait3A = arith.constant 0 : i32
    %dma_wait3A_26 = tpu.memref_slice %arg7[%dma_wait3A] : memref<512xi32, #tpu.memory_space<vmem>> -> memref<128xi32, #tpu.memory_space<vmem>>
    %dma_wait3A_27 = arith.constant 0 : i32
    %dma_wait3A_28 = tpu.memref_slice %arg6[%dma_wait3A_27] : memref<512xi32, #tpu.memory_space<vmem>> -> memref<128xi32, #tpu.memory_space<vmem>>
    %dma_wait3A_29 = arith.constant 0 : i32
    %dma_wait3A_30 = tpu.memref_slice %arg3[%dma_wait3A_29] : memref<262144xi32, #tpu.memory_space<hbm>> -> memref<262144xi32, #tpu.memory_space<hbm>>
    tpu.wait_indirect_dma semaphore(%arg9 : memref<!tpu.dma_semaphore, #tpu.memory_space<semaphore_mem>>) src(%dma_wait3A_30 : memref<262144xi32, #tpu.memory_space<hbm>>) dst(%dma_wait3A_26 : memref<128xi32, #tpu.memory_space<vmem>>)
    %dma_start3A_31 = arith.constant 0 : i32
    %dma_start3A_32 = arith.constant 0 : i32
    %dma_start3A_33 = arith.constant 0 : i32
    %dma_start3A_34 = tpu.memref_slice %arg8[%dma_start3A_31, %dma_start3A_32, %dma_start3A_33] : memref<3x128x256xf32, #tpu.memory_space<vmem>> -> memref<1x128x256xf32, #tpu.memory_space<vmem>>
    %dma_start3A_35 = tpu.memref_squeeze %dma_start3A_34 : memref<1x128x256xf32, #tpu.memory_space<vmem>> -> memref<128x256xf32, #tpu.memory_space<vmem>>
    %dma_start3A_36 = arith.constant 0 : i32
    %dma_start3A_37 = tpu.memref_slice %arg7[%dma_start3A_36] : memref<512xi32, #tpu.memory_space<vmem>> -> memref<128xi32, #tpu.memory_space<vmem>>
    %dma_start3A_38 = arith.constant 0 : i32
    %dma_start3A_39 = arith.constant 0 : i32
    %dma_start3A_40 = tpu.memref_slice %arg2[%dma_start3A_38, %dma_start3A_39] : memref<4096x256xf32, #tpu.memory_space<hbm>> -> memref<4096x256xf32, #tpu.memory_space<hbm>>
    tpu.enqueue_indirect_dma source(%dma_start3A_40 : memref<4096x256xf32, #tpu.memory_space<hbm>>) target(%dma_start3A_35 : memref<128x256xf32, #tpu.memory_space<vmem>>) offsets(%dma_start3A_37 : memref<128xi32, #tpu.memory_space<vmem>>) semaphore(%arg13 : memref<!tpu.dma_semaphore, #tpu.memory_space<semaphore_mem>>)
    %dma_wait3A_41 = arith.constant 128 : i32
    %dma_wait3A_42 = tpu.memref_slice %arg7[%dma_wait3A_41] : memref<512xi32, #tpu.memory_space<vmem>> -> memref<128xi32, #tpu.memory_space<vmem>>
    %dma_wait3A_43 = arith.constant 128 : i32
    %dma_wait3A_44 = tpu.memref_slice %arg6[%dma_wait3A_43] : memref<512xi32, #tpu.memory_space<vmem>> -> memref<128xi32, #tpu.memory_space<vmem>>
    %dma_wait3A_45 = arith.constant 0 : i32
    %dma_wait3A_46 = tpu.memref_slice %arg3[%dma_wait3A_45] : memref<262144xi32, #tpu.memory_space<hbm>> -> memref<262144xi32, #tpu.memory_space<hbm>>
    tpu.wait_indirect_dma semaphore(%arg10 : memref<!tpu.dma_semaphore, #tpu.memory_space<semaphore_mem>>) src(%dma_wait3A_46 : memref<262144xi32, #tpu.memory_space<hbm>>) dst(%dma_wait3A_42 : memref<128xi32, #tpu.memory_space<vmem>>)
    %dma_start3A_47 = arith.constant 1 : i32
    %dma_start3A_48 = arith.constant 0 : i32
    %dma_start3A_49 = arith.constant 0 : i32
    %dma_start3A_50 = tpu.memref_slice %arg8[%dma_start3A_47, %dma_start3A_48, %dma_start3A_49] : memref<3x128x256xf32, #tpu.memory_space<vmem>> -> memref<1x128x256xf32, #tpu.memory_space<vmem>>
    %dma_start3A_51 = tpu.memref_squeeze %dma_start3A_50 : memref<1x128x256xf32, #tpu.memory_space<vmem>> -> memref<128x256xf32, #tpu.memory_space<vmem>>
    %dma_start3A_52 = arith.constant 128 : i32
    %dma_start3A_53 = tpu.memref_slice %arg7[%dma_start3A_52] : memref<512xi32, #tpu.memory_space<vmem>> -> memref<128xi32, #tpu.memory_space<vmem>>
    %dma_start3A_54 = arith.constant 0 : i32
    %dma_start3A_55 = arith.constant 0 : i32
    %dma_start3A_56 = tpu.memref_slice %arg2[%dma_start3A_54, %dma_start3A_55] : memref<4096x256xf32, #tpu.memory_space<hbm>> -> memref<4096x256xf32, #tpu.memory_space<hbm>>
    tpu.enqueue_indirect_dma source(%dma_start3A_56 : memref<4096x256xf32, #tpu.memory_space<hbm>>) target(%dma_start3A_51 : memref<128x256xf32, #tpu.memory_space<vmem>>) offsets(%dma_start3A_53 : memref<128xi32, #tpu.memory_space<vmem>>) semaphore(%arg14 : memref<!tpu.dma_semaphore, #tpu.memory_space<semaphore_mem>>)
    %dma_wait3A_57 = arith.constant 0 : i32
    %dma_wait3A_58 = arith.constant 0 : i32
    %dma_wait3A_59 = arith.constant 0 : i32
    %dma_wait3A_60 = tpu.memref_slice %arg8[%dma_wait3A_57, %dma_wait3A_58, %dma_wait3A_59] : memref<3x128x256xf32, #tpu.memory_space<vmem>> -> memref<1x128x256xf32, #tpu.memory_space<vmem>>
    %dma_wait3A_61 = tpu.memref_squeeze %dma_wait3A_60 : memref<1x128x256xf32, #tpu.memory_space<vmem>> -> memref<128x256xf32, #tpu.memory_space<vmem>>
    %dma_wait3A_62 = arith.constant 0 : i32
    %dma_wait3A_63 = tpu.memref_slice %arg7[%dma_wait3A_62] : memref<512xi32, #tpu.memory_space<vmem>> -> memref<128xi32, #tpu.memory_space<vmem>>
    %dma_wait3A_64 = arith.constant 0 : i32
    %dma_wait3A_65 = arith.constant 0 : i32
    %dma_wait3A_66 = tpu.memref_slice %arg2[%dma_wait3A_64, %dma_wait3A_65] : memref<4096x256xf32, #tpu.memory_space<hbm>> -> memref<4096x256xf32, #tpu.memory_space<hbm>>
    tpu.wait_indirect_dma semaphore(%arg13 : memref<!tpu.dma_semaphore, #tpu.memory_space<semaphore_mem>>) src(%dma_wait3A_66 : memref<4096x256xf32, #tpu.memory_space<hbm>>) dst(%dma_wait3A_61 : memref<128x256xf32, #tpu.memory_space<vmem>>)
    %add3A_67 = arith.constant 0 : i32
    %add3A_68 = arith.addi %mul3A_2, %add3A_67 : i32
    %dma_start3A_69 = arith.constant 0 : i32
    %dma_start3A_70 = arith.constant 0 : i32
    %dma_start3A_71 = arith.constant 0 : i32
    %dma_start3A_72 = tpu.memref_slice %arg8[%dma_start3A_69, %dma_start3A_70, %dma_start3A_71] : memref<3x128x256xf32, #tpu.memory_space<vmem>> -> memref<1x128x256xf32, #tpu.memory_space<vmem>>
    %dma_start3A_73 = tpu.memref_squeeze %dma_start3A_72 : memref<1x128x256xf32, #tpu.memory_space<vmem>> -> memref<128x256xf32, #tpu.memory_space<vmem>>
    %dma_start3A_74 = arith.constant 0 : i32
    %dma_start3A_75 = tpu.memref_slice %arg5[%add3A_68, %dma_start3A_74] : memref<16384x256xf32, #tpu.memory_space<hbm>> -> memref<128x256xf32, #tpu.memory_space<hbm>>
    %dma_start3A_76 = arith.constant 0 : i32
    %dma_start3A_77 = tpu.memref_slice %arg5[%add3A_68, %dma_start3A_76] : memref<16384x256xf32, #tpu.memory_space<hbm>> -> memref<128x256xf32, #tpu.memory_space<hbm>>
    %dma_start3A_78 = arith.constant 0 : i32
    %dma_start3A_79 = arith.constant 0 : i32
    %dma_start3A_80 = tpu.memref_slice %arg8[%dma_start3A_69, %dma_start3A_78, %dma_start3A_79] : memref<3x128x256xf32, #tpu.memory_space<vmem>> -> memref<1x128x256xf32, #tpu.memory_space<vmem>>
    %dma_start3A_81 = tpu.memref_squeeze %dma_start3A_80 : memref<1x128x256xf32, #tpu.memory_space<vmem>> -> memref<128x256xf32, #tpu.memory_space<vmem>>
    tpu.enqueue_dma source(%dma_start3A_81 : memref<128x256xf32, #tpu.memory_space<vmem>>) target(%dma_start3A_77 : memref<128x256xf32, #tpu.memory_space<hbm>>) target_semaphore(%arg16 : memref<!tpu.dma_semaphore, #tpu.memory_space<semaphore_mem>>)
    %dma_wait3A_82 = arith.constant 256 : i32
    %dma_wait3A_83 = tpu.memref_slice %arg7[%dma_wait3A_82] : memref<512xi32, #tpu.memory_space<vmem>> -> memref<128xi32, #tpu.memory_space<vmem>>
    %dma_wait3A_84 = arith.constant 256 : i32
    %dma_wait3A_85 = tpu.memref_slice %arg6[%dma_wait3A_84] : memref<512xi32, #tpu.memory_space<vmem>> -> memref<128xi32, #tpu.memory_space<vmem>>
    %dma_wait3A_86 = arith.constant 0 : i32
    %dma_wait3A_87 = tpu.memref_slice %arg3[%dma_wait3A_86] : memref<262144xi32, #tpu.memory_space<hbm>> -> memref<262144xi32, #tpu.memory_space<hbm>>
    tpu.wait_indirect_dma semaphore(%arg11 : memref<!tpu.dma_semaphore, #tpu.memory_space<semaphore_mem>>) src(%dma_wait3A_87 : memref<262144xi32, #tpu.memory_space<hbm>>) dst(%dma_wait3A_83 : memref<128xi32, #tpu.memory_space<vmem>>)
    %dma_start3A_88 = arith.constant 2 : i32
    %dma_start3A_89 = arith.constant 0 : i32
    %dma_start3A_90 = arith.constant 0 : i32
    %dma_start3A_91 = tpu.memref_slice %arg8[%dma_start3A_88, %dma_start3A_89, %dma_start3A_90] : memref<3x128x256xf32, #tpu.memory_space<vmem>> -> memref<1x128x256xf32, #tpu.memory_space<vmem>>
    %dma_start3A_92 = tpu.memref_squeeze %dma_start3A_91 : memref<1x128x256xf32, #tpu.memory_space<vmem>> -> memref<128x256xf32, #tpu.memory_space<vmem>>
    %dma_start3A_93 = arith.constant 256 : i32
    %dma_start3A_94 = tpu.memref_slice %arg7[%dma_start3A_93] : memref<512xi32, #tpu.memory_space<vmem>> -> memref<128xi32, #tpu.memory_space<vmem>>
    %dma_start3A_95 = arith.constant 0 : i32
    %dma_start3A_96 = arith.constant 0 : i32
    %dma_start3A_97 = tpu.memref_slice %arg2[%dma_start3A_95, %dma_start3A_96] : memref<4096x256xf32, #tpu.memory_space<hbm>> -> memref<4096x256xf32, #tpu.memory_space<hbm>>
    tpu.enqueue_indirect_dma source(%dma_start3A_97 : memref<4096x256xf32, #tpu.memory_space<hbm>>) target(%dma_start3A_92 : memref<128x256xf32, #tpu.memory_space<vmem>>) offsets(%dma_start3A_94 : memref<128xi32, #tpu.memory_space<vmem>>) semaphore(%arg15 : memref<!tpu.dma_semaphore, #tpu.memory_space<semaphore_mem>>)
    %dma_wait3A_98 = arith.constant 1 : i32
    %dma_wait3A_99 = arith.constant 0 : i32
    %dma_wait3A_100 = arith.constant 0 : i32
    %dma_wait3A_101 = tpu.memref_slice %arg8[%dma_wait3A_98, %dma_wait3A_99, %dma_wait3A_100] : memref<3x128x256xf32, #tpu.memory_space<vmem>> -> memref<1x128x256xf32, #tpu.memory_space<vmem>>
    %dma_wait3A_102 = tpu.memref_squeeze %dma_wait3A_101 : memref<1x128x256xf32, #tpu.memory_space<vmem>> -> memref<128x256xf32, #tpu.memory_space<vmem>>
    %dma_wait3A_103 = arith.constant 128 : i32
    %dma_wait3A_104 = tpu.memref_slice %arg7[%dma_wait3A_103] : memref<512xi32, #tpu.memory_space<vmem>> -> memref<128xi32, #tpu.memory_space<vmem>>
    %dma_wait3A_105 = arith.constant 0 : i32
    %dma_wait3A_106 = arith.constant 0 : i32
    %dma_wait3A_107 = tpu.memref_slice %arg2[%dma_wait3A_105, %dma_wait3A_106] : memref<4096x256xf32, #tpu.memory_space<hbm>> -> memref<4096x256xf32, #tpu.memory_space<hbm>>
    tpu.wait_indirect_dma semaphore(%arg14 : memref<!tpu.dma_semaphore, #tpu.memory_space<semaphore_mem>>) src(%dma_wait3A_107 : memref<4096x256xf32, #tpu.memory_space<hbm>>) dst(%dma_wait3A_102 : memref<128x256xf32, #tpu.memory_space<vmem>>)
    %add3A_108 = arith.constant 128 : i32
    %add3A_109 = arith.addi %mul3A_2, %add3A_108 : i32
    %dma_start3A_110 = arith.constant 1 : i32
    %dma_start3A_111 = arith.constant 0 : i32
    %dma_start3A_112 = arith.constant 0 : i32
    %dma_start3A_113 = tpu.memref_slice %arg8[%dma_start3A_110, %dma_start3A_111, %dma_start3A_112] : memref<3x128x256xf32, #tpu.memory_space<vmem>> -> memref<1x128x256xf32, #tpu.memory_space<vmem>>
    %dma_start3A_114 = tpu.memref_squeeze %dma_start3A_113 : memref<1x128x256xf32, #tpu.memory_space<vmem>> -> memref<128x256xf32, #tpu.memory_space<vmem>>
    %dma_start3A_115 = arith.constant 0 : i32
    %dma_start3A_116 = tpu.memref_slice %arg5[%add3A_109, %dma_start3A_115] : memref<16384x256xf32, #tpu.memory_space<hbm>> -> memref<128x256xf32, #tpu.memory_space<hbm>>
    %dma_start3A_117 = arith.constant 0 : i32
    %dma_start3A_118 = tpu.memref_slice %arg5[%add3A_109, %dma_start3A_117] : memref<16384x256xf32, #tpu.memory_space<hbm>> -> memref<128x256xf32, #tpu.memory_space<hbm>>
    %dma_start3A_119 = arith.constant 0 : i32
    %dma_start3A_120 = arith.constant 0 : i32
    %dma_start3A_121 = tpu.memref_slice %arg8[%dma_start3A_110, %dma_start3A_119, %dma_start3A_120] : memref<3x128x256xf32, #tpu.memory_space<vmem>> -> memref<1x128x256xf32, #tpu.memory_space<vmem>>
    %dma_start3A_122 = tpu.memref_squeeze %dma_start3A_121 : memref<1x128x256xf32, #tpu.memory_space<vmem>> -> memref<128x256xf32, #tpu.memory_space<vmem>>
    tpu.enqueue_dma source(%dma_start3A_122 : memref<128x256xf32, #tpu.memory_space<vmem>>) target(%dma_start3A_118 : memref<128x256xf32, #tpu.memory_space<hbm>>) target_semaphore(%arg17 : memref<!tpu.dma_semaphore, #tpu.memory_space<semaphore_mem>>)
    %dma_wait3A_123 = arith.constant 384 : i32
    %dma_wait3A_124 = tpu.memref_slice %arg7[%dma_wait3A_123] : memref<512xi32, #tpu.memory_space<vmem>> -> memref<128xi32, #tpu.memory_space<vmem>>
    %dma_wait3A_125 = arith.constant 384 : i32
    %dma_wait3A_126 = tpu.memref_slice %arg6[%dma_wait3A_125] : memref<512xi32, #tpu.memory_space<vmem>> -> memref<128xi32, #tpu.memory_space<vmem>>
    %dma_wait3A_127 = arith.constant 0 : i32
    %dma_wait3A_128 = tpu.memref_slice %arg3[%dma_wait3A_127] : memref<262144xi32, #tpu.memory_space<hbm>> -> memref<262144xi32, #tpu.memory_space<hbm>>
    tpu.wait_indirect_dma semaphore(%arg12 : memref<!tpu.dma_semaphore, #tpu.memory_space<semaphore_mem>>) src(%dma_wait3A_128 : memref<262144xi32, #tpu.memory_space<hbm>>) dst(%dma_wait3A_124 : memref<128xi32, #tpu.memory_space<vmem>>)
    %dma_wait3A_129 = arith.constant 0 : i32
    %dma_wait3A_130 = arith.constant 0 : i32
    %dma_wait3A_131 = arith.constant 0 : i32
    %dma_wait3A_132 = tpu.memref_slice %arg8[%dma_wait3A_129, %dma_wait3A_130, %dma_wait3A_131] : memref<3x128x256xf32, #tpu.memory_space<vmem>> -> memref<1x128x256xf32, #tpu.memory_space<vmem>>
    %dma_wait3A_133 = tpu.memref_squeeze %dma_wait3A_132 : memref<1x128x256xf32, #tpu.memory_space<vmem>> -> memref<128x256xf32, #tpu.memory_space<vmem>>
    %dma_wait3A_134 = arith.constant 0 : i32
    %dma_wait3A_135 = tpu.memref_slice %arg5[%add3A_68, %dma_wait3A_134] : memref<16384x256xf32, #tpu.memory_space<hbm>> -> memref<128x256xf32, #tpu.memory_space<hbm>>
    %dma_wait3A_136 = arith.constant 0 : i32
    %dma_wait3A_137 = tpu.memref_slice %arg5[%add3A_68, %dma_wait3A_136] : memref<16384x256xf32, #tpu.memory_space<hbm>> -> memref<128x256xf32, #tpu.memory_space<hbm>>
    %dma_wait3A_138 = arith.constant 0 : i32
    %dma_wait3A_139 = arith.constant 0 : i32
    %dma_wait3A_140 = tpu.memref_slice %arg8[%dma_wait3A_129, %dma_wait3A_138, %dma_wait3A_139] : memref<3x128x256xf32, #tpu.memory_space<vmem>> -> memref<1x128x256xf32, #tpu.memory_space<vmem>>
    %dma_wait3A_141 = tpu.memref_squeeze %dma_wait3A_140 : memref<1x128x256xf32, #tpu.memory_space<vmem>> -> memref<128x256xf32, #tpu.memory_space<vmem>>
    tpu.wait_dma2 semaphore(%arg16 : memref<!tpu.dma_semaphore, #tpu.memory_space<semaphore_mem>>) src(%dma_wait3A_141 : memref<128x256xf32, #tpu.memory_space<vmem>>) dst(%dma_wait3A_137 : memref<128x256xf32, #tpu.memory_space<hbm>>)
    %dma_start3A_142 = arith.constant 0 : i32
    %dma_start3A_143 = arith.constant 0 : i32
    %dma_start3A_144 = arith.constant 0 : i32
    %dma_start3A_145 = tpu.memref_slice %arg8[%dma_start3A_142, %dma_start3A_143, %dma_start3A_144] : memref<3x128x256xf32, #tpu.memory_space<vmem>> -> memref<1x128x256xf32, #tpu.memory_space<vmem>>
    %dma_start3A_146 = tpu.memref_squeeze %dma_start3A_145 : memref<1x128x256xf32, #tpu.memory_space<vmem>> -> memref<128x256xf32, #tpu.memory_space<vmem>>
    %dma_start3A_147 = arith.constant 384 : i32
    %dma_start3A_148 = tpu.memref_slice %arg7[%dma_start3A_147] : memref<512xi32, #tpu.memory_space<vmem>> -> memref<128xi32, #tpu.memory_space<vmem>>
    %dma_start3A_149 = arith.constant 0 : i32
    %dma_start3A_150 = arith.constant 0 : i32
    %dma_start3A_151 = tpu.memref_slice %arg2[%dma_start3A_149, %dma_start3A_150] : memref<4096x256xf32, #tpu.memory_space<hbm>> -> memref<4096x256xf32, #tpu.memory_space<hbm>>
    tpu.enqueue_indirect_dma source(%dma_start3A_151 : memref<4096x256xf32, #tpu.memory_space<hbm>>) target(%dma_start3A_146 : memref<128x256xf32, #tpu.memory_space<vmem>>) offsets(%dma_start3A_148 : memref<128xi32, #tpu.memory_space<vmem>>) semaphore(%arg13 : memref<!tpu.dma_semaphore, #tpu.memory_space<semaphore_mem>>)
    %dma_wait3A_152 = arith.constant 2 : i32
    %dma_wait3A_153 = arith.constant 0 : i32
    %dma_wait3A_154 = arith.constant 0 : i32
    %dma_wait3A_155 = tpu.memref_slice %arg8[%dma_wait3A_152, %dma_wait3A_153, %dma_wait3A_154] : memref<3x128x256xf32, #tpu.memory_space<vmem>> -> memref<1x128x256xf32, #tpu.memory_space<vmem>>
    %dma_wait3A_156 = tpu.memref_squeeze %dma_wait3A_155 : memref<1x128x256xf32, #tpu.memory_space<vmem>> -> memref<128x256xf32, #tpu.memory_space<vmem>>
    %dma_wait3A_157 = arith.constant 256 : i32
    %dma_wait3A_158 = tpu.memref_slice %arg7[%dma_wait3A_157] : memref<512xi32, #tpu.memory_space<vmem>> -> memref<128xi32, #tpu.memory_space<vmem>>
    %dma_wait3A_159 = arith.constant 0 : i32
    %dma_wait3A_160 = arith.constant 0 : i32
    %dma_wait3A_161 = tpu.memref_slice %arg2[%dma_wait3A_159, %dma_wait3A_160] : memref<4096x256xf32, #tpu.memory_space<hbm>> -> memref<4096x256xf32, #tpu.memory_space<hbm>>
    tpu.wait_indirect_dma semaphore(%arg15 : memref<!tpu.dma_semaphore, #tpu.memory_space<semaphore_mem>>) src(%dma_wait3A_161 : memref<4096x256xf32, #tpu.memory_space<hbm>>) dst(%dma_wait3A_156 : memref<128x256xf32, #tpu.memory_space<vmem>>)
    %add3A_162 = arith.constant 256 : i32
    %add3A_163 = arith.addi %mul3A_2, %add3A_162 : i32
    %dma_start3A_164 = arith.constant 2 : i32
    %dma_start3A_165 = arith.constant 0 : i32
    %dma_start3A_166 = arith.constant 0 : i32
    %dma_start3A_167 = tpu.memref_slice %arg8[%dma_start3A_164, %dma_start3A_165, %dma_start3A_166] : memref<3x128x256xf32, #tpu.memory_space<vmem>> -> memref<1x128x256xf32, #tpu.memory_space<vmem>>
    %dma_start3A_168 = tpu.memref_squeeze %dma_start3A_167 : memref<1x128x256xf32, #tpu.memory_space<vmem>> -> memref<128x256xf32, #tpu.memory_space<vmem>>
    %dma_start3A_169 = arith.constant 0 : i32
    %dma_start3A_170 = tpu.memref_slice %arg5[%add3A_163, %dma_start3A_169] : memref<16384x256xf32, #tpu.memory_space<hbm>> -> memref<128x256xf32, #tpu.memory_space<hbm>>
    %dma_start3A_171 = arith.constant 0 : i32
    %dma_start3A_172 = tpu.memref_slice %arg5[%add3A_163, %dma_start3A_171] : memref<16384x256xf32, #tpu.memory_space<hbm>> -> memref<128x256xf32, #tpu.memory_space<hbm>>
    %dma_start3A_173 = arith.constant 0 : i32
    %dma_start3A_174 = arith.constant 0 : i32
    %dma_start3A_175 = tpu.memref_slice %arg8[%dma_start3A_164, %dma_start3A_173, %dma_start3A_174] : memref<3x128x256xf32, #tpu.memory_space<vmem>> -> memref<1x128x256xf32, #tpu.memory_space<vmem>>
    %dma_start3A_176 = tpu.memref_squeeze %dma_start3A_175 : memref<1x128x256xf32, #tpu.memory_space<vmem>> -> memref<128x256xf32, #tpu.memory_space<vmem>>
    tpu.enqueue_dma source(%dma_start3A_176 : memref<128x256xf32, #tpu.memory_space<vmem>>) target(%dma_start3A_172 : memref<128x256xf32, #tpu.memory_space<hbm>>) target_semaphore(%arg18 : memref<!tpu.dma_semaphore, #tpu.memory_space<semaphore_mem>>)
    %dma_wait3A_177 = arith.constant 0 : i32
    %dma_wait3A_178 = arith.constant 0 : i32
    %dma_wait3A_179 = arith.constant 0 : i32
    %dma_wait3A_180 = tpu.memref_slice %arg8[%dma_wait3A_177, %dma_wait3A_178, %dma_wait3A_179] : memref<3x128x256xf32, #tpu.memory_space<vmem>> -> memref<1x128x256xf32, #tpu.memory_space<vmem>>
    %dma_wait3A_181 = tpu.memref_squeeze %dma_wait3A_180 : memref<1x128x256xf32, #tpu.memory_space<vmem>> -> memref<128x256xf32, #tpu.memory_space<vmem>>
    %dma_wait3A_182 = arith.constant 384 : i32
    %dma_wait3A_183 = tpu.memref_slice %arg7[%dma_wait3A_182] : memref<512xi32, #tpu.memory_space<vmem>> -> memref<128xi32, #tpu.memory_space<vmem>>
    %dma_wait3A_184 = arith.constant 0 : i32
    %dma_wait3A_185 = arith.constant 0 : i32
    %dma_wait3A_186 = tpu.memref_slice %arg2[%dma_wait3A_184, %dma_wait3A_185] : memref<4096x256xf32, #tpu.memory_space<hbm>> -> memref<4096x256xf32, #tpu.memory_space<hbm>>
    tpu.wait_indirect_dma semaphore(%arg13 : memref<!tpu.dma_semaphore, #tpu.memory_space<semaphore_mem>>) src(%dma_wait3A_186 : memref<4096x256xf32, #tpu.memory_space<hbm>>) dst(%dma_wait3A_181 : memref<128x256xf32, #tpu.memory_space<vmem>>)
    %add3A_187 = arith.constant 384 : i32
    %add3A_188 = arith.addi %mul3A_2, %add3A_187 : i32
    %dma_start3A_189 = arith.constant 0 : i32
    %dma_start3A_190 = arith.constant 0 : i32
    %dma_start3A_191 = arith.constant 0 : i32
    %dma_start3A_192 = tpu.memref_slice %arg8[%dma_start3A_189, %dma_start3A_190, %dma_start3A_191] : memref<3x128x256xf32, #tpu.memory_space<vmem>> -> memref<1x128x256xf32, #tpu.memory_space<vmem>>
    %dma_start3A_193 = tpu.memref_squeeze %dma_start3A_192 : memref<1x128x256xf32, #tpu.memory_space<vmem>> -> memref<128x256xf32, #tpu.memory_space<vmem>>
    %dma_start3A_194 = arith.constant 0 : i32
    %dma_start3A_195 = tpu.memref_slice %arg5[%add3A_188, %dma_start3A_194] : memref<16384x256xf32, #tpu.memory_space<hbm>> -> memref<128x256xf32, #tpu.memory_space<hbm>>
    %dma_start3A_196 = arith.constant 0 : i32
    %dma_start3A_197 = tpu.memref_slice %arg5[%add3A_188, %dma_start3A_196] : memref<16384x256xf32, #tpu.memory_space<hbm>> -> memref<128x256xf32, #tpu.memory_space<hbm>>
    %dma_start3A_198 = arith.constant 0 : i32
    %dma_start3A_199 = arith.constant 0 : i32
    %dma_start3A_200 = tpu.memref_slice %arg8[%dma_start3A_189, %dma_start3A_198, %dma_start3A_199] : memref<3x128x256xf32, #tpu.memory_space<vmem>> -> memref<1x128x256xf32, #tpu.memory_space<vmem>>
    %dma_start3A_201 = tpu.memref_squeeze %dma_start3A_200 : memref<1x128x256xf32, #tpu.memory_space<vmem>> -> memref<128x256xf32, #tpu.memory_space<vmem>>
    tpu.enqueue_dma source(%dma_start3A_201 : memref<128x256xf32, #tpu.memory_space<vmem>>) target(%dma_start3A_197 : memref<128x256xf32, #tpu.memory_space<hbm>>) target_semaphore(%arg16 : memref<!tpu.dma_semaphore, #tpu.memory_space<semaphore_mem>>)
    %dma_wait3A_202 = arith.constant 1 : i32
    %dma_wait3A_203 = arith.constant 0 : i32
    %dma_wait3A_204 = arith.constant 0 : i32
    %dma_wait3A_205 = tpu.memref_slice %arg8[%dma_wait3A_202, %dma_wait3A_203, %dma_wait3A_204] : memref<3x128x256xf32, #tpu.memory_space<vmem>> -> memref<1x128x256xf32, #tpu.memory_space<vmem>>
    %dma_wait3A_206 = tpu.memref_squeeze %dma_wait3A_205 : memref<1x128x256xf32, #tpu.memory_space<vmem>> -> memref<128x256xf32, #tpu.memory_space<vmem>>
    %dma_wait3A_207 = arith.constant 0 : i32
    %dma_wait3A_208 = tpu.memref_slice %arg5[%add3A_109, %dma_wait3A_207] : memref<16384x256xf32, #tpu.memory_space<hbm>> -> memref<128x256xf32, #tpu.memory_space<hbm>>
    %dma_wait3A_209 = arith.constant 0 : i32
    %dma_wait3A_210 = tpu.memref_slice %arg5[%add3A_109, %dma_wait3A_209] : memref<16384x256xf32, #tpu.memory_space<hbm>> -> memref<128x256xf32, #tpu.memory_space<hbm>>
    %dma_wait3A_211 = arith.constant 0 : i32
    %dma_wait3A_212 = arith.constant 0 : i32
    %dma_wait3A_213 = tpu.memref_slice %arg8[%dma_wait3A_202, %dma_wait3A_211, %dma_wait3A_212] : memref<3x128x256xf32, #tpu.memory_space<vmem>> -> memref<1x128x256xf32, #tpu.memory_space<vmem>>
    %dma_wait3A_214 = tpu.memref_squeeze %dma_wait3A_213 : memref<1x128x256xf32, #tpu.memory_space<vmem>> -> memref<128x256xf32, #tpu.memory_space<vmem>>
    tpu.wait_dma2 semaphore(%arg17 : memref<!tpu.dma_semaphore, #tpu.memory_space<semaphore_mem>>) src(%dma_wait3A_214 : memref<128x256xf32, #tpu.memory_space<vmem>>) dst(%dma_wait3A_210 : memref<128x256xf32, #tpu.memory_space<hbm>>)
    %dma_wait3A_215 = arith.constant 2 : i32
    %dma_wait3A_216 = arith.constant 0 : i32
    %dma_wait3A_217 = arith.constant 0 : i32
    %dma_wait3A_218 = tpu.memref_slice %arg8[%dma_wait3A_215, %dma_wait3A_216, %dma_wait3A_217] : memref<3x128x256xf32, #tpu.memory_space<vmem>> -> memref<1x128x256xf32, #tpu.memory_space<vmem>>
    %dma_wait3A_219 = tpu.memref_squeeze %dma_wait3A_218 : memref<1x128x256xf32, #tpu.memory_space<vmem>> -> memref<128x256xf32, #tpu.memory_space<vmem>>
    %dma_wait3A_220 = arith.constant 0 : i32
    %dma_wait3A_221 = tpu.memref_slice %arg5[%add3A_163, %dma_wait3A_220] : memref<16384x256xf32, #tpu.memory_space<hbm>> -> memref<128x256xf32, #tpu.memory_space<hbm>>
    %dma_wait3A_222 = arith.constant 0 : i32
    %dma_wait3A_223 = tpu.memref_slice %arg5[%add3A_163, %dma_wait3A_222] : memref<16384x256xf32, #tpu.memory_space<hbm>> -> memref<128x256xf32, #tpu.memory_space<hbm>>
    %dma_wait3A_224 = arith.constant 0 : i32
    %dma_wait3A_225 = arith.constant 0 : i32
    %dma_wait3A_226 = tpu.memref_slice %arg8[%dma_wait3A_215, %dma_wait3A_224, %dma_wait3A_225] : memref<3x128x256xf32, #tpu.memory_space<vmem>> -> memref<1x128x256xf32, #tpu.memory_space<vmem>>
    %dma_wait3A_227 = tpu.memref_squeeze %dma_wait3A_226 : memref<1x128x256xf32, #tpu.memory_space<vmem>> -> memref<128x256xf32, #tpu.memory_space<vmem>>
    tpu.wait_dma2 semaphore(%arg18 : memref<!tpu.dma_semaphore, #tpu.memory_space<semaphore_mem>>) src(%dma_wait3A_227 : memref<128x256xf32, #tpu.memory_space<vmem>>) dst(%dma_wait3A_223 : memref<128x256xf32, #tpu.memory_space<hbm>>)
    %dma_wait3A_228 = arith.constant 0 : i32
    %dma_wait3A_229 = arith.constant 0 : i32
    %dma_wait3A_230 = arith.constant 0 : i32
    %dma_wait3A_231 = tpu.memref_slice %arg8[%dma_wait3A_228, %dma_wait3A_229, %dma_wait3A_230] : memref<3x128x256xf32, #tpu.memory_space<vmem>> -> memref<1x128x256xf32, #tpu.memory_space<vmem>>
    %dma_wait3A_232 = tpu.memref_squeeze %dma_wait3A_231 : memref<1x128x256xf32, #tpu.memory_space<vmem>> -> memref<128x256xf32, #tpu.memory_space<vmem>>
    %dma_wait3A_233 = arith.constant 0 : i32
    %dma_wait3A_234 = tpu.memref_slice %arg5[%add3A_188, %dma_wait3A_233] : memref<16384x256xf32, #tpu.memory_space<hbm>> -> memref<128x256xf32, #tpu.memory_space<hbm>>
    %dma_wait3A_235 = arith.constant 0 : i32
    %dma_wait3A_236 = tpu.memref_slice %arg5[%add3A_188, %dma_wait3A_235] : memref<16384x256xf32, #tpu.memory_space<hbm>> -> memref<128x256xf32, #tpu.memory_space<hbm>>
    %dma_wait3A_237 = arith.constant 0 : i32
    %dma_wait3A_238 = arith.constant 0 : i32
    %dma_wait3A_239 = tpu.memref_slice %arg8[%dma_wait3A_228, %dma_wait3A_237, %dma_wait3A_238] : memref<3x128x256xf32, #tpu.memory_space<vmem>> -> memref<1x128x256xf32, #tpu.memory_space<vmem>>
    %dma_wait3A_240 = tpu.memref_squeeze %dma_wait3A_239 : memref<1x128x256xf32, #tpu.memory_space<vmem>> -> memref<128x256xf32, #tpu.memory_space<vmem>>
    tpu.wait_dma2 semaphore(%arg16 : memref<!tpu.dma_semaphore, #tpu.memory_space<semaphore_mem>>) src(%dma_wait3A_240 : memref<128x256xf32, #tpu.memory_space<vmem>>) dst(%dma_wait3A_236 : memref<128x256xf32, #tpu.memory_space<hbm>>)
    return
  }
}

</mosaic_0001>

<sc_bundles>
// kernel: kernel.3.cloned.1.call-start
scs
__scs_entry_jumppad:
0x0: {  	(pc) =	sbr.rel $0x88, $3  }
0x1: {  	(tag) =	ssettag $0x0;
	lr =	simm.s32 $0x1  }
0x2: {  	[smem:$0x3F9E] =	sst lr;
	_ =	strace $0xD0000000  }
0x3: {  	_ = 	snop  }
0x4: {  	_ = 	snop  }
0x5: {  	_ = 	snop  }
0x6: {  	_ = 	snop  }
0x7: {  	_ = 	snop  }
__scs_overlays_trampoline_lowered:
0x8: {  	[smem:$0x3FAD] =	sst s0  }
0x9: {  	[smem:$0x3FAE] =	sst s1  }
0xa: {  	[smem:$0x3FAF] =	sst s2  }
0xb: {  	[smem:$0x3FB0] =	sst s3  }
0xc: {  	[smem:$0x3FB1] =	sst s4  }
0xd: {  	[smem:$0x3FB2] =	sst s5  }
0xe: {  	[smem:$0x3FB3] =	sst s6  }
0xf: {  	[smem:$0x3FB4] =	sst s7  }
0x10: {  	[smem:$0x3FB5] =	sst s8  }
0x11: {  	[smem:$0x3FB6] =	sst s9;
	s0 =	simm.s32 @!p0 $0x0  }
0x12: {  	s1 =	sld [smem:$0x3F9C];
	s0 =	simm.s32 @p0 $0x1  }
0x13: {  	[smem:$0x3FB7] =	sst s0;
	s0 =	simm.s32 @!p1 $0x0  }
0x14: {  	s2 =	sld [smem:$0x3F9B];
	s0 =	simm.s32 @p1 $0x1  }
0x15: {  	[smem:$0x3FB8] =	sst s0;
	s0 =	simm.s32 @!p2 $0x0  }
0x16: {  	s3 =	sld [smem:$0x3FDB];
	s0 =	simm.s32 @p2 $0x1  }
0x17: {  	s4 =	simm.s32 $0x1BF5;
	[smem:$0x3FBA] =	sst s0  }
0x18: {  	s0 =	sld [smem:$0x3F9D];
	_ =	swait.ge [sflag:s4], $0x0  }
0x19: {  	s7 =	sld [smem:$0x3F9E]  }
0x1a: {  	s8 =	sadd.s32 $0xFFFFE003, lr  }
0x1b: {  	s9 =	sadd.s32 $0xFFFFFEF7, lr;
	s5 =	simm.s32 $0xFFFFFFFF;
	p2 =	slt.u32 s8, $0xFFFFF086  }
0x1c: {  	p1 =	slt.u32 s9, $0xF7A;
	s5 =	simm.s32 @!p2 $0x0  }
0x1d: {  	s5 =	simm.s32 @p1 $0x1;
	p0 =	seq.s32 s7, s2  }
0x1e: {  	s7 =	smul.u32 @!p0 $0xF7A, s2;
	p2 =	seq.s32 @!p0 s5, $0x0  }
0x1f: {  	s9 =	smul.u32 $0xF7A, s1;
	s8 =	simm.s32 @!p0 $0x1BF5;
	p2 =	por !p2, p0  }
0x20: {  	[sflag:s8] =	ssyncset.s32 @!p0 $0xFFFFF086;
	s6 =	sadd.s32 @!p0 s3, s7;
	s7 =	simm.s32 @!p0 $0x108  }
0x21: {  	s3 =	sadd.s32 s3, s9;
	s6 =	sadd.s32 @!p0 $0x88, s6;
	s7 =	simm.s32 @p2 $0x1082  }
0x22: {  	[simem:s7], [sflag:s8] =	dma.local @!p0 [hbm:s6], $0xF7A  }
0x23: {  	s9 =	sor.u32 $0xD0000000, s2;
	s6 =	simm.s32 $0x108;
	_ =	swait.ge @!p0 [sflag:s8], $0x0  }
0x24: {  	s3 =	sadd.s32 $0x88, s3;
	s6 =	simm.s32 @!p1 $0x1082;
	[sflag:s4] =	ssyncset.s32 $0xFFFFF086  }
0x25: {  	[simem:s6], [sflag:s4] =	dma.local [hbm:s3], $0xF7A  }
0x26: {  	[smem:$0x3F9E] =	sst s1;
	(tag) =	ssettag s2;
	_ =	strace s9  }
0x27: {  	s1 =	sld [smem:$0x3FAE]  }
0x28: {  	s2 =	sld [smem:$0x3FAF]  }
0x29: {  	s4 =	sld [smem:$0x3FB1]  }
0x2a: {  	p0 =	seq.s32 s5, $0x0;
	s5 =	sld [smem:$0x3FB2]  }
0x2b: {  	s6 =	sld [smem:$0x3FB3]  }
0x2c: {  	s7 =	sld [smem:$0x3FB4]  }
0x2d: {  	s3 =	simm.s32 $0x108;
	s8 =	sld [smem:$0x3FB5]  }
0x2e: {  	s3 =	simm.s32 @!p0 $0x1082;
	s9 =	sld [smem:$0x3FB6]  }
0x2f: {  	lr =	sadd.s32 s0, s3;
	s0 =	sld [smem:$0x3FAD]  }
0x30: {  	s3 =	sld [smem:$0x3FB0]  }
0x31: {  	[smem:$0x3FB9] =	sst s10  }
0x32: {  	s10 =	sld [smem:$0x3FB7];
	_ =	sdelay $0x3  }
0x33: {  	p0 =	seq.s32 s10, $0x1;
	s10 =	sld [smem:$0x3FB9];
	_ =	sdelay $0x3  }
0x34: {  	[smem:$0x3FB9] =	sst s10  }
0x35: {  	s10 =	sld [smem:$0x3FB8];
	_ =	sdelay $0x3  }
0x36: {  	p1 =	seq.s32 s10, $0x1;
	s10 =	sld [smem:$0x3FB9];
	_ =	sdelay $0x3  }
0x37: {  	[smem:$0x3FB9] =	sst s10  }
0x38: {  	s10 =	sld [smem:$0x3FBA]  }
0x39: {  	_ = 	snop;
	(pc) =	sbr.ind lr, $3  }
0x3a: {  	_ = 	snop  }
0x3b: {  	_ = 	snop  }
0x3c: {  	p2 =	seq.s32 s10, $0x1;
	s10 =	sld [smem:$0x3FB9]  }
0x3d: {  	_ =	shalt  }
0x3e: {  	_ =	shalt  }
0x3f: {  	_ =	shalt  }
0x40: {  	_ =	shalt  }
0x41: {  	_ =	shalt  }
0x42: {  	_ =	shalt  }
0x43: {  	_ =	shalt  }
0x44: {  	_ =	shalt  }
0x45: {  	_ =	shalt  }
0x46: {  	_ =	shalt  }
0x47: {  	_ =	shalt  }
0x48: {  	_ =	shalt  }
0x49: {  	_ =	shalt  }
0x4a: {  	_ =	shalt  }
0x4b: {  	_ =	shalt  }
0x4c: {  	_ =	shalt  }
0x4d: {  	_ =	shalt  }
0x4e: {  	_ =	shalt  }
0x4f: {  	_ =	shalt  }
0x50: {  	_ =	shalt  }
0x51: {  	_ =	shalt  }
0x52: {  	_ =	shalt  }
0x53: {  	_ =	shalt  }
0x54: {  	_ =	shalt  }
0x55: {  	_ =	shalt  }
0x56: {  	_ =	shalt  }
0x57: {  	_ =	shalt  }
0x58: {  	_ =	shalt  }
0x59: {  	_ =	shalt  }
0x5a: {  	_ =	shalt  }
0x5b: {  	_ =	shalt  }
0x5c: {  	_ =	shalt  }
0x5d: {  	_ =	shalt  }
0x5e: {  	_ =	shalt  }
0x5f: {  	_ =	shalt  }
0x60: {  	_ =	shalt  }
0x61: {  	_ =	shalt  }
0x62: {  	_ =	shalt  }
0x63: {  	_ =	shalt  }
0x64: {  	_ =	shalt  }
0x65: {  	_ =	shalt  }
0x66: {  	_ =	shalt  }
0x67: {  	_ =	shalt  }
0x68: {  	_ =	shalt  }
0x69: {  	_ =	shalt  }
0x6a: {  	_ =	shalt  }
0x6b: {  	_ =	shalt  }
0x6c: {  	_ =	shalt  }
0x6d: {  	_ =	shalt  }
0x6e: {  	_ =	shalt  }
0x6f: {  	_ =	shalt  }
0x70: {  	_ =	shalt  }
0x71: {  	_ =	shalt  }
0x72: {  	_ =	shalt  }
0x73: {  	_ =	shalt  }
0x74: {  	_ =	shalt  }
0x75: {  	_ =	shalt  }
0x76: {  	_ =	shalt  }
0x77: {  	_ =	shalt  }
0x78: {  	_ =	shalt  }
0x79: {  	_ =	shalt  }
0x7a: {  	_ =	shalt  }
0x7b: {  	_ =	shalt  }
0x7c: {  	_ =	shalt  }
0x7d: {  	_ =	shalt  }
0x7e: {  	_ =	shalt  }
0x7f: {  	_ =	shalt  }
0x80: {  	_ =	shalt  }
0x81: {  	_ =	shalt  }
0x82: {  	_ =	shalt  }
0x83: {  	_ =	shalt  }
0x84: {  	_ =	shalt  }
0x85: {  	_ =	shalt  }
0x86: {  	_ =	shalt  }
0x87: {  	_ =	shalt  }
.Lfunc_end0:
.L_simem_size_0:
called_computation_lowered:
.L_overlay_start_0:
0x88: {  	s2 =	sld [smem:$0x3FD9]  }
0x89: {  	s3 =	sld [smem:$0x3FFE];
	_ =	sdelay $0x1  }
0x8a: {  	s1 =	srdreg.scid  }
0x8b: {  	s0 =	sand.u32 $0x1, s1  }
0x8c: {  	s17 =	sshll.u32 s0, $0xA;
	s2 =	sadd.s32 s3, s2  }
0x8d: {  	s2 =	sadd.s32 s2, s17  }
0x8e: {  	[smem:$0x3FC5] =	sst s2  }
0x8f: {  	_ = 	snop  }
0x90: {  	s2 =	sld [smem:$0x3FC9]  }
0x91: {  	s18 =	sld [smem:$0x3FC7]  }
0x92: {  	s4 =	sld [smem:$0x3FD0];
	(tm) =	ssettm $0x1  }
0x93: {  	s5 =	sld [smem:$0x3FFB];
	_ =	sdelay $0x3  }
0x94: {  	_ =	strace s5  }
0x95: {  	s5 =	sld [smem:$0x3FFC];
	_ =	sdelay $0x3  }
0x96: {  	_ =	strace s5  }
0x97: {  	s5 =	sld [smem:$0x3FFD];
	_ =	sdelay $0x3  }
0x98: {  	_ =	strace s5  }
0x99: {  	_ =	strace $0x8FFFFFFF  }
0x9a: {  	s19 =	sld [smem:$0x3FDB];
	_ =	sdelay $0x1  }
0x9b: {  	s6 =	simm.s32 $_scs_section_size  }
0x9c: {  	s7 =	simm.s32 $_size__tile_overlayer_lowered;
	s8 =	simm.s32 $_tile_overlayer_lowered  }
0x9d: {  	s22 =	simm.s32 $0x1BFF;
	s21 =	sshll.u32 s8, $0x1;
	s5 =	sadd.s32 s6, s19  }
0x9e: {  	s9 =	simm.s32 $0x0;
	s20 =	sshll.u32 s7, $0x1;
	s7 =	sadd.s32 s21, s5  }
0x9f: {  	[timem:s9], [sflag:s22] =	dma.local [hbm:s7], s20  }
0xa0: {  	_ =	swait.ge [sflag:s22], s20  }
0xa1: {  	s6 =	ssub.s32 $0x0, s20;
	[sflag:s22] =	ssyncset.done $0x0  }
0xa2: {  	[sflag:s22] =	ssyncadd.s32 s6;
	_ =	sdelay $0x1  }
0xa3: {  	s23 =	simm.s32 $0x1B8B  }
0xa4: {  	_ =	swait.ge [sflag:s23], $0x1  }
0xa5: {  	[sflag:s23] =	ssyncset.done $0x0  }
0xa6: {  	s25 =	simm.s32 $0x1B8E;
	s24 =	sld [smem:$0x3FFE];
	[sflag:s23] =	ssyncadd.s32 $0xFFFFFFFF  }
0xa7: {  	s26 =	simm.s32 $execute0_lowered;
	[smem:$0x3FD2] =	sst s25  }
0xa8: {  	s7 =	sshll.u32 s26, $0x1;
	_ =	strace $0x80000046;
	[dreg:$0x1] =	wrdreg $0xFFFFFFFF  }
0xa9: {  	s28 =	simm.s32 $_size_execute0_lowered;
	s5 =	sadd.s32 s5, s7;
	[dreg:$0x0] =	wrdreg $0x0  }
0xaa: {  	s7 =	sshll.u32 s28, $0x1;
	[dreg:$0x2] =	wrdreg s5  }
0xab: {  	[dreg:$0x3] =	wrdreg s7  }
0xac: {  	[dreg:$0x4] =	wrdreg $0xC0  }
0xad: {  	_ =	task [dreg:s9], $0x5FFFF  }
0xae: {  	[dreg:$0x1] =	wrdreg $0xFFFFFFFF  }
0xaf: {  	[dreg:$0x0] =	wrdreg $0x60  }
0xb0: {  	[dreg:$0x2] =	wrdreg s2  }
0xb1: {  	[dreg:$0x3] =	wrdreg s24  }
0xb2: {  	[dreg:$0x4] =	wrdreg s18  }
0xb3: {  	[dreg:$0x5] =	wrdreg s4  }
0xb4: {  	[dreg:$0x6] =	wrdreg $0x9  }
0xb5: {  	_ =	task.clear_ibuf [dreg:s9], $0x7FFFF;
	_ =	strace $0x90000046  }
0xb6: {  	s29 =	simm.s32 $0x9;
	_ =	strace $0x80000048  }
0xb7: {  	_ =	swait.ge [sflag:s29], $0x1  }
0xb8: {  	[sflag:s29] =	ssyncadd.s32 $0xFFFFFFFF  }
0xb9: {  	_ =	strace $0x90000048  }
0xba: {  	_ =	sfence  }
0xbb: {  	s30 =	sld [smem:$0x0];
	_ =	sdelay $0x2  }
0xbc: {  	s31 =	sshll.u32 s1, $0xD;
	s1 =	sshrl.u32 s1, $0x2  }
0xbd: {  	s3 =	sand.u32 $0x4000, s31;
	s1 =	sadd.s32 s1, s30  }
0xbe: {  	s0 =	sor.u32 s3, s0;
	s1 =	sshll.u32 s1, $0x11  }
0xbf: {  	s0 =	sor.u32 s1, s0  }
0xc0: {  	s0 =	sadd.s32 $0x8F2B, s0  }
0xc1: {  	[sflag:s0] =	ssyncadd.remote.s32 $0x1  }
0xc2: {  	_ =	sfence.sel $0xFFFF  }
0xc3: {  	[dreg:$0x0] =	wrdreg $0xFFFFFFFF;
	(pc) =	sbr.abs _section_cstart, $3  }
0xc4: {  	[dreg:$0x1] =	wrdreg $0xFFFFFFFF  }
0xc5: {  	_ =	task.clear_ibuf [dreg:s9], $0x2FFFF;
	_ =	strace $0x9FFFFFFF  }
0xc6: {  	(tm) =	ssettm $0x7FFFFFFF  }
0xc7: {  	_ =	shalt  }
tec
execute0_lowered:
.L_overlay_start_1:
0x0: {  	(tag) =	ssettag $0x1  }
0x1: {  	s1 =	rddreg [dreg:$0x0]  }
0x2: {  	s0 =	rddreg [dreg:$0x1]  }
0x3: {  	s4 =	rddreg [dreg:$0x2];
	s3 =	stileid.u32  }
0x4: {  	s5 =	rddreg [dreg:$0x3];
	s7 =	sshll.u32 s3, $0x9;
	s3 =	simm.s32 $0x0  }
0x5: {  	s12 =	simm.s32 $0x200;
	[smem:$0x7FF] =	sst s3  }
0x6: {  	s13 =	simm.s32 $0x280;
	_ =	strace $0x80000047;
	[dreg:$0x9] =	wrdreg s12  }
0x7: {  	s14 =	simm.s32 $0x100;
	[dreg:$0xa] =	wrdreg s13  }
0x8: {  	s15 =	simm.s32 $0x300;
	[dreg:$0xb] =	wrdreg s14  }
0x9: {  	s16 =	simm.s32 $0x180;
	[dreg:$0xc] =	wrdreg s15  }
0xa: {  	s17 =	simm.s32 $0x380;
	[dreg:$0xd] =	wrdreg s16  }
0xb: {  	s18 =	simm.s32 $0x8C00;
	[dreg:$0xe] =	wrdreg s17  }
0xc: {  	s19 =	simm.s32 $0x9400;
	[dreg:$0xf] =	wrdreg s18  }
0xd: {  	s20 =	simm.s32 $0x9C00;
	[dreg:$0x10] =	wrdreg s19  }
0xe: {  	s21 =	simm.s32 $0xA400;
	[dreg:$0x11] =	wrdreg s20  }
0xf: {  	s22 =	simm.s32 $0xAC00;
	[dreg:$0x12] =	wrdreg s21  }
0x10: {  	s23 =	simm.s32 $0xB400;
	[dreg:$0x13] =	wrdreg s22  }
0x11: {  	s24 =	simm.s32 $0xBC00;
	[dreg:$0x14] =	wrdreg s23  }
0x12: {  	s25 =	simm.s32 $0xC400;
	[dreg:$0x15] =	wrdreg s24  }
0x13: {  	s26 =	simm.s32 $0xCC00;
	[dreg:$0x16] =	wrdreg s25  }
0x14: {  	s8 =	simm.s32 $0xE400;
	[dreg:$0x17] =	wrdreg s26  }
0x15: {  	[dreg:$0x1a] =	wrdreg s8;
	s12 =	simm.s32 $0x10C00  }
0x16: {  	s13 =	simm.s32 $0x11400;
	[dreg:$0x1e] =	wrdreg s12  }
0x17: {  	s14 =	simm.s32 $0x11C00;
	[dreg:$0x1f] =	wrdreg s13  }
0x18: {  	s2 =	srdreg.scid;
	s15 =	simm.s32 $0x12400;
	[smem:$0x7F1] =	sst s14  }
0x19: {  	s29 =	simm.s32 $0x5;
	s16 =	simm.s32 $0x12C00;
	[smem:$0x7F2] =	sst s15  }
0x1a: {  	s28 =	simm.s32 $0x5C00;
	s17 =	simm.s32 $0x13400;
	[smem:$0x7F3] =	sst s16  }
0x1b: {  	s31 =	simm.s32 $0x6400;
	s18 =	simm.s32 $0x13C00;
	[smem:$0x7F4] =	sst s17  }
0x1c: {  	s30 =	simm.s32 $0x8400;
	s19 =	simm.s32 $0x14400;
	[smem:$0x7F5] =	sst s18  }
0x1d: {  	s2 =	sand.u32 $0x1, s2;
	s20 =	simm.s32 $0x14C00;
	[smem:$0x7F6] =	sst s19  }
0x1e: {  	s6 =	sshll.u32 s2, $0xD;
	s21 =	simm.s32 $0x15400;
	[smem:$0x7F7] =	sst s20  }
0x1f: {  	s2 =	ssub.s32 $0x2, s2;
	s22 =	simm.s32 $0x15C00;
	[smem:$0x7F8] =	sst s21  }
0x20: {  	s6 =	sor.u32 s7, s6;
	s23 =	simm.s32 $0x16400;
	[smem:$0x7F9] =	sst s22  }
0x21: {  	s8 =	simm.s32 $0x80;
	s24 =	simm.s32 $0x16C00;
	[smem:$0x7FA] =	sst s23  }
0x22: {  	s25 =	simm.s32 $0x17400;
	s26 =	simm.s32 $0x17C00;
	[smem:$0x7FB] =	sst s24  }
0x23: {  	s7 =	sshrl.u32 s6, $0x3;
	s6 =	sshll.u32 s6, $0x5;
	[smem:$0x7FC] =	sst s25  }
0x24: {  	[smem:$0x7FD] =	sst s26;
	s12 =	simm.s32 $0x9;
	s13 =	simm.s32 $0xA  }
0x25: {  	s18 =	simm.s32 $0x1C00;
	s19 =	simm.s32 $0x2400;
	s20 =	simm.s32 $0x2C00  }
0x26: {  	s21 =	simm.s32 $0x3400;
	s22 =	simm.s32 $0x3C00;
	s4 =	sadd.s32 s4, s7  }
0x27: {  	s23 =	simm.s32 $0x4400;
	s5 =	sadd.s32 s5, s6;
	[dreg:$0x5] =	wrdreg s4  }
0x28: {  	s24 =	simm.s32 $0x4C00;
	s6 =	simm.s32 $0xDC00;
	[smem:$0x7F0] =	sst s5  }
0x29: {  	s25 =	simm.s32 $0x5400;
	s9 =	sadd.s32 $0x1000, s5;
	[dreg:$0x19] =	wrdreg s6  }
0x2a: {  	s26 =	simm.s32 $0x7C00;
	s10 =	sadd.s32 $0x2000, s5;
	[dreg:$0x6] =	wrdreg s9  }
0x2b: {  	s7 =	sshrl.u32 s2, $0x1;
	s11 =	sadd.s32 $0x3000, s5;
	[dreg:$0x7] =	wrdreg s10  }
0x2c: {  	s5 =	sadd.s32 $0x400, s0;
	s4 =	simm.s32 $0xD400;
	[dreg:$0x8] =	wrdreg s11  }
0x2d: {  	s2 =	ssub.s32 s2, s7;
	[dreg:$0x18] =	wrdreg s4;
	s9 =	simm.s32 $0xEC00  }
0x2e: {  	s0 =	simm.s32 $0x4;
	s10 =	simm.s32 $0xF400;
	[dreg:$0x1b] =	wrdreg s9  }
0x2f: {  	v2 =	vlaneseq.u32;
	s6 =	smax.u32 s2, $0x1;
	s11 =	simm.s32 $0xFC00;
	[dreg:$0x1c] =	wrdreg s10  }
0x30: {  	vm0 =	vmmov $0xffff;
	v1 =	vshrl.u32 v2, $0x3;
	s4 =	simm.s32 $0x8;
	s2 =	simm.s32 $0x10400;
	[dreg:$0x1d] =	wrdreg s11  }
0x31: {  	v0 =	vand.u32 $0x7, v2;
	v2 =	vor.u32 $0x8, v2;
	v1 =	vmul.u32 $0x8, v1;
	s10 =	simm.s32 $0x400;
	s11 =	simm.s32 $0x7;
	s9 =	simm.s32 $0x7400  }
.LBB2_1:
0x32: {  	s14 =	rddreg [dreg:$0x5];
	s7 =	simm.s32 $0xB  }
0x33: {  	[tilespmem:s3], [sflag:$0xB] =	stream.linear.gather [hbm4b:s14+s3], $0x200, $0x38;
	[tilespmem:$0x18400] =	vst v63  }
0x34: {  	_ =	swait.ge [sflag:s7], $0x200  }
0x35: {  	s17 =	rddreg [dreg:$0x9]  }
0x36: {  	[sflag:s7] =	ssyncset.done $0x0;
	s15 =	rddreg [dreg:$0xa]  }
0x37: {  	s16 =	rddreg [dreg:$0xd];
	[sflag:s7] =	ssyncadd.s32 $0xFFFFFE00  }
0x38: {  	[tilespmem:s17], [sflag:$0x1] =	stream.indirect.gather [hbm4b:s5+s8], $0x1, s3, s8, $0xb8;
	[tilespmem:$0x18400] =	vst v63  }
0x39: {  	s7 =	rddreg [dreg:$0xc]  }
0x3a: {  	[tilespmem:s15], [sflag:$0x2] =	stream.indirect.gather [hbm4b:s5+s8], $0x1, s8, s8, $0xb8;
	[tilespmem:$0x18400] =	vst v63  }
0x3b: {  	s15 =	rddreg [dreg:$0xb]  }
0x3c: {  	[tilespmem:s7], [sflag:$0x3] =	stream.indirect.gather [hbm4b:s5+s8], $0x1, s15, s8, $0xb8;
	[tilespmem:$0x18400] =	vst v63  }
0x3d: {  	s14 =	simm.s32 $0x1;
	s17 =	rddreg [dreg:$0xe]  }
0x3e: {  	[tilespmem:s17], [sflag:$0x4] =	stream.indirect.gather [hbm4b:s5+s8], $0x1, s16, s8, $0xb8;
	[tilespmem:$0x18400] =	vst v63  }
0x3f: {  	_ =	swait.ge [sflag:s14], $0x80  }
0x40: {  	[sflag:s14] =	ssyncset.done $0x0  }
0x41: {  	[sflag:s14] =	ssyncadd.s32 $0xFFFFFF80  }
0x42: {  	v3 =	vld [tilespmem:$0x200];
	_ =	sdelay $0x4  }
0x43: {  	v4 =	vshll.u32 v3, $0x1  }
0x44: {  	v3 =	vand.u32 $0x7, v3;
	v4 =	vand.u32 $0xFFFFFFF0, v4  }
0x45: {  	v3 =	vor.u32 v3, v4  }
0x46: {  	v4 =	vperm.xlane v3, v0;
	_ =	sdelay $0x1  }
0x47: {  	v3 =	vperm.xlane v3, v2;
	v4 =	vadd.s32 v1, v4;
	_ =	sdelay $0x1  }
0x48: {  	v3 =	vadd.s32 v1, v3;
	_ =	sdelay $0x2  }
0x49: {  	[tilespmem:s10], [sflag:$0x5] =	stream.indirect_vreg.gather [hbm4b:s1+s3], $0x80, v4, vm0, $0xb8;
	[tilespmem:$0x18400] =	vst v63  }
0x4a: {  	s16 =	simm.s32 $0xC00  }
0x4b: {  	[tilespmem:s16], [sflag:$0x5] =	stream.indirect_vreg.gather [hbm4b:s1+s3], $0x80, v3, vm0, $0xb8;
	[tilespmem:$0x18400] =	vst v63  }
0x4c: {  	v3 =	vld [tilespmem:$0x210];
	_ =	sdelay $0x4  }
0x4d: {  	v33 =	vshll.u32 v3, $0x1  }
0x4e: {  	v3 =	vand.u32 $0x7, v3;
	v4 =	vand.u32 $0xFFFFFFF0, v33  }
0x4f: {  	v3 =	vor.u32 v3, v4  }
0x50: {  	v4 =	vperm.xlane v3, v0;
	_ =	sdelay $0x1  }
0x51: {  	v3 =	vperm.xlane v3, v2;
	v4 =	vadd.s32 v1, v4;
	_ =	sdelay $0x1  }
0x52: {  	v3 =	vadd.s32 v1, v3;
	_ =	sdelay $0x1  }
0x53: {  	s17 =	simm.s32 $0x1400  }
0x54: {  	[tilespmem:s17], [sflag:$0x5] =	stream.indirect_vreg.gather [hbm4b:s1+s3], $0x80, v4, vm0, $0xb8;
	[tilespmem:$0x18400] =	vst v63  }
0x55: {  	_ = 	snop  }
0x56: {  	[tilespmem:s18], [sflag:$0x5] =	stream.indirect_vreg.gather [hbm4b:s1+s3], $0x80, v3, vm0, $0xb8;
	[tilespmem:$0x18400] =	vst v63  }
0x57: {  	v3 =	vld [tilespmem:$0x220];
	_ =	sdelay $0x4  }
0x58: {  	v34 =	vshll.u32 v3, $0x1  }
0x59: {  	v3 =	vand.u32 $0x7, v3;
	v4 =	vand.u32 $0xFFFFFFF0, v34  }
0x5a: {  	v3 =	vor.u32 v3, v4  }
0x5b: {  	v4 =	vperm.xlane v3, v0;
	_ =	sdelay $0x1  }
0x5c: {  	v3 =	vperm.xlane v3, v2;
	v4 =	vadd.s32 v1, v4;
	_ =	sdelay $0x1  }
0x5d: {  	v3 =	vadd.s32 v1, v3;
	_ =	sdelay $0x2  }
0x5e: {  	[tilespmem:s19], [sflag:$0x5] =	stream.indirect_vreg.gather [hbm4b:s1+s3], $0x80, v4, vm0, $0xb8;
	[tilespmem:$0x18400] =	vst v63  }
0x5f: {  	_ = 	snop  }
0x60: {  	[tilespmem:s20], [sflag:$0x5] =	stream.indirect_vreg.gather [hbm4b:s1+s3], $0x80, v3, vm0, $0xb8;
	[tilespmem:$0x18400] =	vst v63  }
0x61: {  	v3 =	vld [tilespmem:$0x230];
	_ =	sdelay $0x4  }
0x62: {  	v35 =	vshll.u32 v3, $0x1  }
0x63: {  	v3 =	vand.u32 $0x7, v3;
	v4 =	vand.u32 $0xFFFFFFF0, v35  }
0x64: {  	v3 =	vor.u32 v3, v4  }
0x65: {  	v4 =	vperm.xlane v3, v0;
	_ =	sdelay $0x1  }
0x66: {  	v3 =	vperm.xlane v3, v2;
	v4 =	vadd.s32 v1, v4;
	_ =	sdelay $0x1  }
0x67: {  	v3 =	vadd.s32 v1, v3;
	_ =	sdelay $0x2  }
0x68: {  	[tilespmem:s21], [sflag:$0x5] =	stream.indirect_vreg.gather [hbm4b:s1+s3], $0x80, v4, vm0, $0xb8;
	[tilespmem:$0x18400] =	vst v63  }
0x69: {  	_ = 	snop  }
0x6a: {  	[tilespmem:s22], [sflag:$0x5] =	stream.indirect_vreg.gather [hbm4b:s1+s3], $0x80, v3, vm0, $0xb8;
	[tilespmem:$0x18400] =	vst v63  }
0x6b: {  	v3 =	vld [tilespmem:$0x240];
	_ =	sdelay $0x4  }
0x6c: {  	v36 =	vshll.u32 v3, $0x1  }
0x6d: {  	v3 =	vand.u32 $0x7, v3;
	v4 =	vand.u32 $0xFFFFFFF0, v36  }
0x6e: {  	v3 =	vor.u32 v3, v4  }
0x6f: {  	v4 =	vperm.xlane v3, v0;
	_ =	sdelay $0x1  }
0x70: {  	v3 =	vperm.xlane v3, v2;
	v4 =	vadd.s32 v1, v4;
	_ =	sdelay $0x1  }
0x71: {  	v3 =	vadd.s32 v1, v3;
	_ =	sdelay $0x2  }
0x72: {  	[tilespmem:s23], [sflag:$0x5] =	stream.indirect_vreg.gather [hbm4b:s1+s3], $0x80, v4, vm0, $0xb8;
	[tilespmem:$0x18400] =	vst v63  }
0x73: {  	_ = 	snop  }
0x74: {  	[tilespmem:s24], [sflag:$0x5] =	stream.indirect_vreg.gather [hbm4b:s1+s3], $0x80, v3, vm0, $0xb8;
	[tilespmem:$0x18400] =	vst v63  }
0x75: {  	v3 =	vld [tilespmem:$0x250];
	_ =	sdelay $0x4  }
0x76: {  	v37 =	vshll.u32 v3, $0x1  }
0x77: {  	v3 =	vand.u32 $0x7, v3;
	v4 =	vand.u32 $0xFFFFFFF0, v37  }
0x78: {  	v3 =	vor.u32 v3, v4  }
0x79: {  	v4 =	vperm.xlane v3, v0;
	_ =	sdelay $0x1  }
0x7a: {  	v3 =	vperm.xlane v3, v2;
	v4 =	vadd.s32 v1, v4;
	_ =	sdelay $0x1  }
0x7b: {  	v3 =	vadd.s32 v1, v3;
	_ =	sdelay $0x2  }
0x7c: {  	[tilespmem:s25], [sflag:$0x5] =	stream.indirect_vreg.gather [hbm4b:s1+s3], $0x80, v4, vm0, $0xb8;
	[tilespmem:$0x18400] =	vst v63  }
0x7d: {  	_ = 	snop  }
0x7e: {  	[tilespmem:s28], [sflag:$0x5] =	stream.indirect_vreg.gather [hbm4b:s1+s3], $0x80, v3, vm0, $0xb8;
	[tilespmem:$0x18400] =	vst v63  }
0x7f: {  	v3 =	vld [tilespmem:$0x260];
	_ =	sdelay $0x4  }
0x80: {  	v38 =	vshll.u32 v3, $0x1  }
0x81: {  	v3 =	vand.u32 $0x7, v3;
	v4 =	vand.u32 $0xFFFFFFF0, v38  }
0x82: {  	v3 =	vor.u32 v3, v4  }
0x83: {  	v4 =	vperm.xlane v3, v0;
	_ =	sdelay $0x1  }
0x84: {  	v3 =	vperm.xlane v3, v2;
	v4 =	vadd.s32 v1, v4;
	_ =	sdelay $0x1  }
0x85: {  	v3 =	vadd.s32 v1, v3;
	_ =	sdelay $0x2  }
0x86: {  	[tilespmem:s31], [sflag:$0x5] =	stream.indirect_vreg.gather [hbm4b:s1+s3], $0x80, v4, vm0, $0xb8;
	[tilespmem:$0x18400] =	vst v63  }
0x87: {  	s7 =	simm.s32 $0x6C00  }
0x88: {  	[tilespmem:s7], [sflag:$0x5] =	stream.indirect_vreg.gather [hbm4b:s1+s3], $0x80, v3, vm0, $0xb8;
	[tilespmem:$0x18400] =	vst v63  }
0x89: {  	v3 =	vld [tilespmem:$0x270];
	_ =	sdelay $0x4  }
0x8a: {  	v39 =	vshll.u32 v3, $0x1  }
0x8b: {  	v3 =	vand.u32 $0x7, v3;
	v4 =	vand.u32 $0xFFFFFFF0, v39  }
0x8c: {  	v3 =	vor.u32 v3, v4  }
0x8d: {  	v4 =	vperm.xlane v3, v0;
	_ =	sdelay $0x1  }
0x8e: {  	v3 =	vperm.xlane v3, v2;
	v4 =	vadd.s32 v1, v4;
	_ =	sdelay $0x1  }
0x8f: {  	v3 =	vadd.s32 v1, v3;
	_ =	sdelay $0x2  }
0x90: {  	[tilespmem:s9], [sflag:$0x5] =	stream.indirect_vreg.gather [hbm4b:s1+s3], $0x80, v4, vm0, $0xb8;
	[tilespmem:$0x18400] =	vst v63  }
0x91: {  	s15 =	simm.s32 $0x2  }
0x92: {  	[tilespmem:s26], [sflag:$0x5] =	stream.indirect_vreg.gather [hbm4b:s1+s3], $0x80, v3, vm0, $0xb8;
	[tilespmem:$0x18400] =	vst v63  }
0x93: {  	_ =	swait.ge [sflag:s15], $0x80  }
0x94: {  	[sflag:s15] =	ssyncset.done $0x0  }
0x95: {  	[sflag:s15] =	ssyncadd.s32 $0xFFFFFF80  }
0x96: {  	v3 =	vld [tilespmem:$0x280];
	_ =	sdelay $0x4  }
0x97: {  	v40 =	vshll.u32 v3, $0x1  }
0x98: {  	v3 =	vand.u32 $0x7, v3;
	v4 =	vand.u32 $0xFFFFFFF0, v40  }
0x99: {  	v3 =	vor.u32 v3, v4  }
0x9a: {  	v4 =	vperm.xlane v3, v0;
	_ =	sdelay $0x1  }
0x9b: {  	v3 =	vperm.xlane v3, v2;
	v4 =	vadd.s32 v1, v4;
	_ =	sdelay $0x1  }
0x9c: {  	v3 =	vadd.s32 v1, v3;
	_ =	sdelay $0x2  }
0x9d: {  	[tilespmem:s30], [sflag:$0x6] =	stream.indirect_vreg.gather [hbm4b:s1+s3], $0x80, v4, vm0, $0xb8;
	[tilespmem:$0x18400] =	vst v63  }
0x9e: {  	s15 =	rddreg [dreg:$0xf]  }
0x9f: {  	[tilespmem:s15], [sflag:$0x6] =	stream.indirect_vreg.gather [hbm4b:s1+s3], $0x80, v3, vm0, $0xb8;
	[tilespmem:$0x18400] =	vst v63  }
0xa0: {  	v3 =	vld [tilespmem:$0x290];
	_ =	sdelay $0x4  }
0xa1: {  	v41 =	vshll.u32 v3, $0x1  }
0xa2: {  	v3 =	vand.u32 $0x7, v3;
	v4 =	vand.u32 $0xFFFFFFF0, v41  }
0xa3: {  	v3 =	vor.u32 v3, v4  }
0xa4: {  	v4 =	vperm.xlane v3, v0;
	_ =	sdelay $0x1  }
0xa5: {  	v3 =	vperm.xlane v3, v2;
	v4 =	vadd.s32 v1, v4;
	_ =	sdelay $0x1  }
0xa6: {  	v3 =	vadd.s32 v1, v3;
	_ =	sdelay $0x1  }
0xa7: {  	s14 =	rddreg [dreg:$0x10]  }
0xa8: {  	[tilespmem:s14], [sflag:$0x6] =	stream.indirect_vreg.gather [hbm4b:s1+s3], $0x80, v4, vm0, $0xb8;
	[tilespmem:$0x18400] =	vst v63  }
0xa9: {  	s15 =	rddreg [dreg:$0x11]  }
0xaa: {  	[tilespmem:s15], [sflag:$0x6] =	stream.indirect_vreg.gather [hbm4b:s1+s3], $0x80, v3, vm0, $0xb8;
	[tilespmem:$0x18400] =	vst v63  }
0xab: {  	v3 =	vld [tilespmem:$0x2A0];
	_ =	sdelay $0x4  }
0xac: {  	v42 =	vshll.u32 v3, $0x1  }
0xad: {  	v3 =	vand.u32 $0x7, v3;
	v4 =	vand.u32 $0xFFFFFFF0, v42  }
0xae: {  	v3 =	vor.u32 v3, v4  }
0xaf: {  	v4 =	vperm.xlane v3, v0;
	_ =	sdelay $0x1  }
0xb0: {  	v3 =	vperm.xlane v3, v2;
	v4 =	vadd.s32 v1, v4;
	_ =	sdelay $0x1  }
0xb1: {  	v3 =	vadd.s32 v1, v3;
	_ =	sdelay $0x1  }
0xb2: {  	s14 =	rddreg [dreg:$0x12]  }
0xb3: {  	[tilespmem:s14], [sflag:$0x6] =	stream.indirect_vreg.gather [hbm4b:s1+s3], $0x80, v4, vm0, $0xb8;
	[tilespmem:$0x18400] =	vst v63  }
0xb4: {  	s15 =	rddreg [dreg:$0x13]  }
0xb5: {  	[tilespmem:s15], [sflag:$0x6] =	stream.indirect_vreg.gather [hbm4b:s1+s3], $0x80, v3, vm0, $0xb8;
	[tilespmem:$0x18400] =	vst v63  }
0xb6: {  	v3 =	vld [tilespmem:$0x2B0];
	_ =	sdelay $0x4  }
0xb7: {  	v43 =	vshll.u32 v3, $0x1  }
0xb8: {  	v3 =	vand.u32 $0x7, v3;
	v4 =	vand.u32 $0xFFFFFFF0, v43  }
0xb9: {  	v3 =	vor.u32 v3, v4  }
0xba: {  	v4 =	vperm.xlane v3, v0;
	_ =	sdelay $0x1  }
0xbb: {  	v3 =	vperm.xlane v3, v2;
	v4 =	vadd.s32 v1, v4;
	_ =	sdelay $0x1  }
0xbc: {  	v3 =	vadd.s32 v1, v3;
	_ =	sdelay $0x1  }
0xbd: {  	s14 =	rddreg [dreg:$0x14]  }
0xbe: {  	[tilespmem:s14], [sflag:$0x6] =	stream.indirect_vreg.gather [hbm4b:s1+s3], $0x80, v4, vm0, $0xb8;
	[tilespmem:$0x18400] =	vst v63  }
0xbf: {  	s15 =	rddreg [dreg:$0x15]  }
0xc0: {  	[tilespmem:s15], [sflag:$0x6] =	stream.indirect_vreg.gather [hbm4b:s1+s3], $0x80, v3, vm0, $0xb8;
	[tilespmem:$0x18400] =	vst v63  }
0xc1: {  	v3 =	vld [tilespmem:$0x2C0];
	_ =	sdelay $0x4  }
0xc2: {  	v44 =	vshll.u32 v3, $0x1  }
0xc3: {  	v3 =	vand.u32 $0x7, v3;
	v4 =	vand.u32 $0xFFFFFFF0, v44  }
0xc4: {  	v3 =	vor.u32 v3, v4  }
0xc5: {  	v4 =	vperm.xlane v3, v0;
	_ =	sdelay $0x1  }
0xc6: {  	v3 =	vperm.xlane v3, v2;
	v4 =	vadd.s32 v1, v4;
	_ =	sdelay $0x1  }
0xc7: {  	v3 =	vadd.s32 v1, v3;
	_ =	sdelay $0x1  }
0xc8: {  	s14 =	rddreg [dreg:$0x16]  }
0xc9: {  	[tilespmem:s14], [sflag:$0x6] =	stream.indirect_vreg.gather [hbm4b:s1+s3], $0x80, v4, vm0, $0xb8;
	[tilespmem:$0x18400] =	vst v63  }
0xca: {  	s15 =	rddreg [dreg:$0x17]  }
0xcb: {  	[tilespmem:s15], [sflag:$0x6] =	stream.indirect_vreg.gather [hbm4b:s1+s3], $0x80, v3, vm0, $0xb8;
	[tilespmem:$0x18400] =	vst v63  }
0xcc: {  	v3 =	vld [tilespmem:$0x2D0];
	_ =	sdelay $0x4  }
0xcd: {  	v45 =	vshll.u32 v3, $0x1  }
0xce: {  	v3 =	vand.u32 $0x7, v3;
	v4 =	vand.u32 $0xFFFFFFF0, v45  }
0xcf: {  	v3 =	vor.u32 v3, v4  }
0xd0: {  	v4 =	vperm.xlane v3, v0;
	_ =	sdelay $0x1  }
0xd1: {  	v3 =	vperm.xlane v3, v2;
	v4 =	vadd.s32 v1, v4;
	_ =	sdelay $0x1  }
0xd2: {  	v3 =	vadd.s32 v1, v3;
	_ =	sdelay $0x1  }
0xd3: {  	s14 =	rddreg [dreg:$0x18]  }
0xd4: {  	[tilespmem:s14], [sflag:$0x6] =	stream.indirect_vreg.gather [hbm4b:s1+s3], $0x80, v4, vm0, $0xb8;
	[tilespmem:$0x18400] =	vst v63  }
0xd5: {  	s15 =	rddreg [dreg:$0x19]  }
0xd6: {  	[tilespmem:s15], [sflag:$0x6] =	stream.indirect_vreg.gather [hbm4b:s1+s3], $0x80, v3, vm0, $0xb8;
	[tilespmem:$0x18400] =	vst v63  }
0xd7: {  	v3 =	vld [tilespmem:$0x2E0];
	_ =	sdelay $0x4  }
0xd8: {  	v46 =	vshll.u32 v3, $0x1  }
0xd9: {  	v3 =	vand.u32 $0x7, v3;
	v4 =	vand.u32 $0xFFFFFFF0, v46  }
0xda: {  	v3 =	vor.u32 v3, v4  }
0xdb: {  	v4 =	vperm.xlane v3, v0;
	_ =	sdelay $0x1  }
0xdc: {  	v3 =	vperm.xlane v3, v2;
	v4 =	vadd.s32 v1, v4;
	_ =	sdelay $0x1  }
0xdd: {  	v3 =	vadd.s32 v1, v3;
	_ =	sdelay $0x1  }
0xde: {  	s14 =	rddreg [dreg:$0x1a]  }
0xdf: {  	[tilespmem:s14], [sflag:$0x6] =	stream.indirect_vreg.gather [hbm4b:s1+s3], $0x80, v4, vm0, $0xb8;
	[tilespmem:$0x18400] =	vst v63  }
0xe0: {  	s15 =	rddreg [dreg:$0x1b]  }
0xe1: {  	[tilespmem:s15], [sflag:$0x6] =	stream.indirect_vreg.gather [hbm4b:s1+s3], $0x80, v3, vm0, $0xb8;
	[tilespmem:$0x18400] =	vst v63  }
0xe2: {  	v3 =	vld [tilespmem:$0x2F0];
	_ =	sdelay $0x4  }
0xe3: {  	v47 =	vshll.u32 v3, $0x1  }
0xe4: {  	v3 =	vand.u32 $0x7, v3;
	v4 =	vand.u32 $0xFFFFFFF0, v47  }
0xe5: {  	v3 =	vor.u32 v3, v4  }
0xe6: {  	v4 =	vperm.xlane v3, v0;
	_ =	sdelay $0x1  }
0xe7: {  	v3 =	vperm.xlane v3, v2;
	v4 =	vadd.s32 v1, v4;
	_ =	sdelay $0x1  }
0xe8: {  	v3 =	vadd.s32 v1, v3;
	_ =	sdelay $0x1  }
0xe9: {  	s14 =	rddreg [dreg:$0x1c]  }
0xea: {  	[tilespmem:s14], [sflag:$0x6] =	stream.indirect_vreg.gather [hbm4b:s1+s3], $0x80, v4, vm0, $0xb8;
	[tilespmem:$0x18400] =	vst v63  }
0xeb: {  	s15 =	rddreg [dreg:$0x1d]  }
0xec: {  	[tilespmem:s15], [sflag:$0x6] =	stream.indirect_vreg.gather [hbm4b:s1+s3], $0x80, v3, vm0, $0xb8;
	[tilespmem:$0x18400] =	vst v63  }
0xed: {  	_ =	swait.ge [sflag:s29], $0x8000  }
0xee: {  	s15 =	sld [smem:$0x7F0]  }
0xef: {  	[sflag:s29] =	ssyncset.done $0x0  }
0xf0: {  	[sflag:s29] =	ssyncadd.s32 $0xFFFF8000  }
0xf1: {  	[hbm4b:s15+s3] =	stream.linear.scatter [tilespmem:s10], [sflag:$0x8], $0x8000, $0x38;
	[tilespmem:$0x18400] =	vst v63  }
0xf2: {  	s15 =	simm.s32 $0x3  }
0xf3: {  	_ =	swait.ge [sflag:s15], $0x80  }
0xf4: {  	[sflag:s15] =	ssyncset.done $0x0  }
0xf5: {  	[sflag:s15] =	ssyncadd.s32 $0xFFFFFF80  }
0xf6: {  	v3 =	vld [tilespmem:$0x300];
	_ =	sdelay $0x4  }
0xf7: {  	v48 =	vshll.u32 v3, $0x1  }
0xf8: {  	v3 =	vand.u32 $0x7, v3;
	v4 =	vand.u32 $0xFFFFFFF0, v48  }
0xf9: {  	v3 =	vor.u32 v3, v4  }
0xfa: {  	v4 =	vperm.xlane v3, v0;
	_ =	sdelay $0x1  }
0xfb: {  	v3 =	vperm.xlane v3, v2;
	v4 =	vadd.s32 v1, v4;
	_ =	sdelay $0x1  }
0xfc: {  	v3 =	vadd.s32 v1, v3;
	_ =	sdelay $0x2  }
0xfd: {  	[tilespmem:s2], [sflag:$0x7] =	stream.indirect_vreg.gather [hbm4b:s1+s3], $0x80, v4, vm0, $0xb8;
	[tilespmem:$0x18400] =	vst v63  }
0xfe: {  	s15 =	rddreg [dreg:$0x1e]  }
0xff: {  	[tilespmem:s15], [sflag:$0x7] =	stream.indirect_vreg.gather [hbm4b:s1+s3], $0x80, v3, vm0, $0xb8;
	[tilespmem:$0x18400] =	vst v63  }
0x100: {  	v3 =	vld [tilespmem:$0x310];
	_ =	sdelay $0x4  }
0x101: {  	v49 =	vshll.u32 v3, $0x1  }
0x102: {  	v3 =	vand.u32 $0x7, v3;
	v4 =	vand.u32 $0xFFFFFFF0, v49  }
0x103: {  	v3 =	vor.u32 v3, v4  }
0x104: {  	v4 =	vperm.xlane v3, v0;
	_ =	sdelay $0x1  }
0x105: {  	v3 =	vperm.xlane v3, v2;
	v4 =	vadd.s32 v1, v4;
	_ =	sdelay $0x1  }
0x106: {  	v3 =	vadd.s32 v1, v3  }
0x107: {  	s14 =	rddreg [dreg:$0x1f]  }
0x108: {  	s15 =	sld [smem:$0x7F1]  }
0x109: {  	[tilespmem:s14], [sflag:$0x7] =	stream.indirect_vreg.gather [hbm4b:s1+s3], $0x80, v4, vm0, $0xb8;
	[tilespmem:$0x18400] =	vst v63  }
0x10a: {  	_ = 	snop  }
0x10b: {  	[tilespmem:s15], [sflag:$0x7] =	stream.indirect_vreg.gather [hbm4b:s1+s3], $0x80, v3, vm0, $0xb8;
	[tilespmem:$0x18400] =	vst v63  }
0x10c: {  	v3 =	vld [tilespmem:$0x320];
	_ =	sdelay $0x4  }
0x10d: {  	v50 =	vshll.u32 v3, $0x1  }
0x10e: {  	v3 =	vand.u32 $0x7, v3;
	v4 =	vand.u32 $0xFFFFFFF0, v50  }
0x10f: {  	v3 =	vor.u32 v3, v4  }
0x110: {  	v4 =	vperm.xlane v3, v0;
	_ =	sdelay $0x1  }
0x111: {  	v3 =	vperm.xlane v3, v2;
	v4 =	vadd.s32 v1, v4;
	_ =	sdelay $0x1  }
0x112: {  	s14 =	sld [smem:$0x7F2];
	v3 =	vadd.s32 v1, v3;
	_ =	sdelay $0x1  }
0x113: {  	s15 =	sld [smem:$0x7F3]  }
0x114: {  	[tilespmem:s14], [sflag:$0x7] =	stream.indirect_vreg.gather [hbm4b:s1+s3], $0x80, v4, vm0, $0xb8;
	[tilespmem:$0x18400] =	vst v63  }
0x115: {  	_ = 	snop  }
0x116: {  	[tilespmem:s15], [sflag:$0x7] =	stream.indirect_vreg.gather [hbm4b:s1+s3], $0x80, v3, vm0, $0xb8;
	[tilespmem:$0x18400] =	vst v63  }
0x117: {  	v3 =	vld [tilespmem:$0x330];
	_ =	sdelay $0x4  }
0x118: {  	v51 =	vshll.u32 v3, $0x1  }
0x119: {  	v3 =	vand.u32 $0x7, v3;
	v4 =	vand.u32 $0xFFFFFFF0, v51  }
0x11a: {  	v3 =	vor.u32 v3, v4  }
0x11b: {  	v4 =	vperm.xlane v3, v0;
	_ =	sdelay $0x1  }
0x11c: {  	v3 =	vperm.xlane v3, v2;
	v4 =	vadd.s32 v1, v4;
	_ =	sdelay $0x1  }
0x11d: {  	s14 =	sld [smem:$0x7F4];
	v3 =	vadd.s32 v1, v3;
	_ =	sdelay $0x1  }
0x11e: {  	s15 =	sld [smem:$0x7F5]  }
0x11f: {  	[tilespmem:s14], [sflag:$0x7] =	stream.indirect_vreg.gather [hbm4b:s1+s3], $0x80, v4, vm0, $0xb8;
	[tilespmem:$0x18400] =	vst v63  }
0x120: {  	_ = 	snop  }
0x121: {  	[tilespmem:s15], [sflag:$0x7] =	stream.indirect_vreg.gather [hbm4b:s1+s3], $0x80, v3, vm0, $0xb8;
	[tilespmem:$0x18400] =	vst v63  }
0x122: {  	v3 =	vld [tilespmem:$0x340];
	_ =	sdelay $0x4  }
0x123: {  	v52 =	vshll.u32 v3, $0x1  }
0x124: {  	v3 =	vand.u32 $0x7, v3;
	v4 =	vand.u32 $0xFFFFFFF0, v52  }
0x125: {  	v3 =	vor.u32 v3, v4  }
0x126: {  	v4 =	vperm.xlane v3, v0;
	_ =	sdelay $0x1  }
0x127: {  	v3 =	vperm.xlane v3, v2;
	v4 =	vadd.s32 v1, v4;
	_ =	sdelay $0x1  }
0x128: {  	s14 =	sld [smem:$0x7F6];
	v3 =	vadd.s32 v1, v3;
	_ =	sdelay $0x1  }
0x129: {  	s15 =	sld [smem:$0x7F7]  }
0x12a: {  	[tilespmem:s14], [sflag:$0x7] =	stream.indirect_vreg.gather [hbm4b:s1+s3], $0x80, v4, vm0, $0xb8;
	[tilespmem:$0x18400] =	vst v63  }
0x12b: {  	_ = 	snop  }
0x12c: {  	[tilespmem:s15], [sflag:$0x7] =	stream.indirect_vreg.gather [hbm4b:s1+s3], $0x80, v3, vm0, $0xb8;
	[tilespmem:$0x18400] =	vst v63  }
0x12d: {  	v3 =	vld [tilespmem:$0x350];
	_ =	sdelay $0x4  }
0x12e: {  	v53 =	vshll.u32 v3, $0x1  }
0x12f: {  	v3 =	vand.u32 $0x7, v3;
	v4 =	vand.u32 $0xFFFFFFF0, v53  }
0x130: {  	v3 =	vor.u32 v3, v4  }
0x131: {  	v4 =	vperm.xlane v3, v0;
	_ =	sdelay $0x1  }
0x132: {  	v3 =	vperm.xlane v3, v2;
	v4 =	vadd.s32 v1, v4;
	_ =	sdelay $0x1  }
0x133: {  	s14 =	sld [smem:$0x7F8];
	v3 =	vadd.s32 v1, v3;
	_ =	sdelay $0x1  }
0x134: {  	s15 =	sld [smem:$0x7F9]  }
0x135: {  	[tilespmem:s14], [sflag:$0x7] =	stream.indirect_vreg.gather [hbm4b:s1+s3], $0x80, v4, vm0, $0xb8;
	[tilespmem:$0x18400] =	vst v63  }
0x136: {  	_ = 	snop  }
0x137: {  	[tilespmem:s15], [sflag:$0x7] =	stream.indirect_vreg.gather [hbm4b:s1+s3], $0x80, v3, vm0, $0xb8;
	[tilespmem:$0x18400] =	vst v63  }
0x138: {  	v3 =	vld [tilespmem:$0x360];
	_ =	sdelay $0x4  }
0x139: {  	v54 =	vshll.u32 v3, $0x1  }
0x13a: {  	v3 =	vand.u32 $0x7, v3;
	v4 =	vand.u32 $0xFFFFFFF0, v54  }
0x13b: {  	v3 =	vor.u32 v3, v4  }
0x13c: {  	v4 =	vperm.xlane v3, v0;
	_ =	sdelay $0x1  }
0x13d: {  	v3 =	vperm.xlane v3, v2;
	v4 =	vadd.s32 v1, v4;
	_ =	sdelay $0x1  }
0x13e: {  	s14 =	sld [smem:$0x7FA];
	v3 =	vadd.s32 v1, v3;
	_ =	sdelay $0x1  }
0x13f: {  	s15 =	sld [smem:$0x7FB]  }
0x140: {  	[tilespmem:s14], [sflag:$0x7] =	stream.indirect_vreg.gather [hbm4b:s1+s3], $0x80, v4, vm0, $0xb8;
	[tilespmem:$0x18400] =	vst v63  }
0x141: {  	_ = 	snop  }
0x142: {  	[tilespmem:s15], [sflag:$0x7] =	stream.indirect_vreg.gather [hbm4b:s1+s3], $0x80, v3, vm0, $0xb8;
	[tilespmem:$0x18400] =	vst v63  }
0x143: {  	v3 =	vld [tilespmem:$0x370];
	_ =	sdelay $0x4  }
0x144: {  	v55 =	vshll.u32 v3, $0x1  }
0x145: {  	v3 =	vand.u32 $0x7, v3;
	v4 =	vand.u32 $0xFFFFFFF0, v55  }
0x146: {  	v3 =	vor.u32 v3, v4  }
0x147: {  	v4 =	vperm.xlane v3, v0;
	_ =	sdelay $0x1  }
0x148: {  	v3 =	vperm.xlane v3, v2;
	v4 =	vadd.s32 v1, v4;
	_ =	sdelay $0x1  }
0x149: {  	s14 =	sld [smem:$0x7FC];
	v3 =	vadd.s32 v1, v3;
	_ =	sdelay $0x1  }
0x14a: {  	s15 =	sld [smem:$0x7FD]  }
0x14b: {  	[tilespmem:s14], [sflag:$0x7] =	stream.indirect_vreg.gather [hbm4b:s1+s3], $0x80, v4, vm0, $0xb8;
	[tilespmem:$0x18400] =	vst v63  }
0x14c: {  	_ = 	snop  }
0x14d: {  	[tilespmem:s15], [sflag:$0x7] =	stream.indirect_vreg.gather [hbm4b:s1+s3], $0x80, v3, vm0, $0xb8;
	[tilespmem:$0x18400] =	vst v63  }
0x14e: {  	s15 =	simm.s32 $0x6  }
0x14f: {  	_ =	swait.ge [sflag:s15], $0x8000  }
0x150: {  	[sflag:s15] =	ssyncset.done $0x0  }
0x151: {  	s14 =	rddreg [dreg:$0x6];
	[sflag:s15] =	ssyncadd.s32 $0xFFFF8000  }
0x152: {  	[hbm4b:s14+s3] =	stream.linear.scatter [tilespmem:s30], [sflag:$0x9], $0x8000, $0x38;
	[tilespmem:$0x18400] =	vst v63  }
0x153: {  	_ =	swait.ge [sflag:s0], $0x80  }
0x154: {  	[sflag:s0] =	ssyncset.done $0x0  }
0x155: {  	[sflag:s0] =	ssyncadd.s32 $0xFFFFFF80  }
0x156: {  	_ =	swait.ge [sflag:s4], $0x8000  }
0x157: {  	[sflag:s4] =	ssyncset.done $0x0  }
0x158: {  	[sflag:s4] =	ssyncadd.s32 $0xFFFF8000  }
0x159: {  	v3 =	vld [tilespmem:$0x380];
	_ =	sdelay $0x4  }
0x15a: {  	v56 =	vshll.u32 v3, $0x1  }
0x15b: {  	v3 =	vand.u32 $0x7, v3;
	v4 =	vand.u32 $0xFFFFFFF0, v56  }
0x15c: {  	v3 =	vor.u32 v3, v4  }
0x15d: {  	v4 =	vperm.xlane v3, v0;
	_ =	sdelay $0x1  }
0x15e: {  	v3 =	vperm.xlane v3, v2;
	v4 =	vadd.s32 v1, v4;
	_ =	sdelay $0x1  }
0x15f: {  	v3 =	vadd.s32 v1, v3;
	_ =	sdelay $0x2  }
0x160: {  	[tilespmem:s10], [sflag:$0x5] =	stream.indirect_vreg.gather [hbm4b:s1+s3], $0x80, v4, vm0, $0xb8;
	[tilespmem:$0x18400] =	vst v63  }
0x161: {  	_ = 	snop  }
0x162: {  	[tilespmem:s16], [sflag:$0x5] =	stream.indirect_vreg.gather [hbm4b:s1+s3], $0x80, v3, vm0, $0xb8;
	[tilespmem:$0x18400] =	vst v63  }
0x163: {  	v3 =	vld [tilespmem:$0x390];
	_ =	sdelay $0x4  }
0x164: {  	v57 =	vshll.u32 v3, $0x1  }
0x165: {  	v3 =	vand.u32 $0x7, v3;
	v4 =	vand.u32 $0xFFFFFFF0, v57  }
0x166: {  	v3 =	vor.u32 v3, v4  }
0x167: {  	v4 =	vperm.xlane v3, v0;
	_ =	sdelay $0x1  }
0x168: {  	v3 =	vperm.xlane v3, v2;
	v4 =	vadd.s32 v1, v4;
	_ =	sdelay $0x1  }
0x169: {  	v3 =	vadd.s32 v1, v3;
	_ =	sdelay $0x2  }
0x16a: {  	[tilespmem:s17], [sflag:$0x5] =	stream.indirect_vreg.gather [hbm4b:s1+s3], $0x80, v4, vm0, $0xb8;
	[tilespmem:$0x18400] =	vst v63  }
0x16b: {  	_ = 	snop  }
0x16c: {  	[tilespmem:s18], [sflag:$0x5] =	stream.indirect_vreg.gather [hbm4b:s1+s3], $0x80, v3, vm0, $0xb8;
	[tilespmem:$0x18400] =	vst v63  }
0x16d: {  	v3 =	vld [tilespmem:$0x3A0];
	_ =	sdelay $0x4  }
0x16e: {  	v58 =	vshll.u32 v3, $0x1  }
0x16f: {  	v3 =	vand.u32 $0x7, v3;
	v4 =	vand.u32 $0xFFFFFFF0, v58  }
0x170: {  	v3 =	vor.u32 v3, v4  }
0x171: {  	v4 =	vperm.xlane v3, v0;
	_ =	sdelay $0x1  }
0x172: {  	v3 =	vperm.xlane v3, v2;
	v4 =	vadd.s32 v1, v4;
	_ =	sdelay $0x1  }
0x173: {  	v3 =	vadd.s32 v1, v3;
	_ =	sdelay $0x2  }
0x174: {  	[tilespmem:s19], [sflag:$0x5] =	stream.indirect_vreg.gather [hbm4b:s1+s3], $0x80, v4, vm0, $0xb8;
	[tilespmem:$0x18400] =	vst v63  }
0x175: {  	_ = 	snop  }
0x176: {  	[tilespmem:s20], [sflag:$0x5] =	stream.indirect_vreg.gather [hbm4b:s1+s3], $0x80, v3, vm0, $0xb8;
	[tilespmem:$0x18400] =	vst v63  }
0x177: {  	v3 =	vld [tilespmem:$0x3B0];
	_ =	sdelay $0x4  }
0x178: {  	v59 =	vshll.u32 v3, $0x1  }
0x179: {  	v3 =	vand.u32 $0x7, v3;
	v4 =	vand.u32 $0xFFFFFFF0, v59  }
0x17a: {  	v3 =	vor.u32 v3, v4  }
0x17b: {  	v4 =	vperm.xlane v3, v0;
	_ =	sdelay $0x1  }
0x17c: {  	v3 =	vperm.xlane v3, v2;
	v4 =	vadd.s32 v1, v4;
	_ =	sdelay $0x1  }
0x17d: {  	v3 =	vadd.s32 v1, v3;
	_ =	sdelay $0x2  }
0x17e: {  	[tilespmem:s21], [sflag:$0x5] =	stream.indirect_vreg.gather [hbm4b:s1+s3], $0x80, v4, vm0, $0xb8;
	[tilespmem:$0x18400] =	vst v63  }
0x17f: {  	_ = 	snop  }
0x180: {  	[tilespmem:s22], [sflag:$0x5] =	stream.indirect_vreg.gather [hbm4b:s1+s3], $0x80, v3, vm0, $0xb8;
	[tilespmem:$0x18400] =	vst v63  }
0x181: {  	v3 =	vld [tilespmem:$0x3C0];
	_ =	sdelay $0x4  }
0x182: {  	v60 =	vshll.u32 v3, $0x1  }
0x183: {  	v3 =	vand.u32 $0x7, v3;
	v4 =	vand.u32 $0xFFFFFFF0, v60  }
0x184: {  	v3 =	vor.u32 v3, v4  }
0x185: {  	v4 =	vperm.xlane v3, v0;
	_ =	sdelay $0x1  }
0x186: {  	v3 =	vperm.xlane v3, v2;
	v4 =	vadd.s32 v1, v4;
	_ =	sdelay $0x1  }
0x187: {  	v3 =	vadd.s32 v1, v3;
	_ =	sdelay $0x2  }
0x188: {  	[tilespmem:s23], [sflag:$0x5] =	stream.indirect_vreg.gather [hbm4b:s1+s3], $0x80, v4, vm0, $0xb8;
	[tilespmem:$0x18400] =	vst v63  }
0x189: {  	_ = 	snop  }
0x18a: {  	[tilespmem:s24], [sflag:$0x5] =	stream.indirect_vreg.gather [hbm4b:s1+s3], $0x80, v3, vm0, $0xb8;
	[tilespmem:$0x18400] =	vst v63  }
0x18b: {  	v3 =	vld [tilespmem:$0x3D0];
	_ =	sdelay $0x4  }
0x18c: {  	v61 =	vshll.u32 v3, $0x1  }
0x18d: {  	v3 =	vand.u32 $0x7, v3;
	v4 =	vand.u32 $0xFFFFFFF0, v61  }
0x18e: {  	v3 =	vor.u32 v3, v4  }
0x18f: {  	v4 =	vperm.xlane v3, v0;
	_ =	sdelay $0x1  }
0x190: {  	v3 =	vperm.xlane v3, v2;
	v4 =	vadd.s32 v1, v4;
	_ =	sdelay $0x1  }
0x191: {  	v3 =	vadd.s32 v1, v3;
	_ =	sdelay $0x2  }
0x192: {  	[tilespmem:s25], [sflag:$0x5] =	stream.indirect_vreg.gather [hbm4b:s1+s3], $0x80, v4, vm0, $0xb8;
	[tilespmem:$0x18400] =	vst v63  }
0x193: {  	_ = 	snop  }
0x194: {  	[tilespmem:s28], [sflag:$0x5] =	stream.indirect_vreg.gather [hbm4b:s1+s3], $0x80, v3, vm0, $0xb8;
	[tilespmem:$0x18400] =	vst v63  }
0x195: {  	v3 =	vld [tilespmem:$0x3E0];
	_ =	sdelay $0x4  }
0x196: {  	v62 =	vshll.u32 v3, $0x1  }
0x197: {  	v3 =	vand.u32 $0x7, v3;
	v4 =	vand.u32 $0xFFFFFFF0, v62  }
0x198: {  	v3 =	vor.u32 v3, v4  }
0x199: {  	v4 =	vperm.xlane v3, v0;
	_ =	sdelay $0x1  }
0x19a: {  	v3 =	vperm.xlane v3, v2;
	v4 =	vadd.s32 v1, v4;
	_ =	sdelay $0x1  }
0x19b: {  	v3 =	vadd.s32 v1, v3;
	_ =	sdelay $0x2  }
0x19c: {  	[tilespmem:s31], [sflag:$0x5] =	stream.indirect_vreg.gather [hbm4b:s1+s3], $0x80, v4, vm0, $0xb8;
	[tilespmem:$0x18400] =	vst v63  }
0x19d: {  	_ = 	snop  }
0x19e: {  	[tilespmem:s7], [sflag:$0x5] =	stream.indirect_vreg.gather [hbm4b:s1+s3], $0x80, v3, vm0, $0xb8;
	[tilespmem:$0x18400] =	vst v63  }
0x19f: {  	v3 =	vld [tilespmem:$0x3F0];
	_ =	sdelay $0x4  }
0x1a0: {  	v63 =	vshll.u32 v3, $0x1  }
0x1a1: {  	v3 =	vand.u32 $0x7, v3;
	v4 =	vand.u32 $0xFFFFFFF0, v63  }
0x1a2: {  	v3 =	vor.u32 v3, v4  }
0x1a3: {  	v4 =	vperm.xlane v3, v0;
	_ =	sdelay $0x1  }
0x1a4: {  	v3 =	vperm.xlane v3, v2;
	v4 =	vadd.s32 v1, v4;
	_ =	sdelay $0x1  }
0x1a5: {  	v3 =	vadd.s32 v1, v3;
	_ =	sdelay $0x2  }
0x1a6: {  	[tilespmem:s9], [sflag:$0x5] =	stream.indirect_vreg.gather [hbm4b:s1+s3], $0x80, v4, vm0, $0xb8;
	[tilespmem:$0x18400] =	vst v63  }
0x1a7: {  	_ = 	snop  }
0x1a8: {  	[tilespmem:s26], [sflag:$0x5] =	stream.indirect_vreg.gather [hbm4b:s1+s3], $0x80, v3, vm0, $0xb8;
	[tilespmem:$0x18400] =	vst v63  }
0x1a9: {  	_ =	swait.ge [sflag:s11], $0x8000  }
0x1aa: {  	[sflag:s11] =	ssyncset.done $0x0  }
0x1ab: {  	s16 =	rddreg [dreg:$0x7];
	[sflag:s11] =	ssyncadd.s32 $0xFFFF8000  }
0x1ac: {  	[hbm4b:s16+s3] =	stream.linear.scatter [tilespmem:s2], [sflag:$0xA], $0x8000, $0x38;
	[tilespmem:$0x18400] =	vst v63  }
0x1ad: {  	_ =	swait.ge [sflag:s29], $0x8000  }
0x1ae: {  	[sflag:s29] =	ssyncset.done $0x0  }
0x1af: {  	s17 =	rddreg [dreg:$0x8];
	[sflag:s29] =	ssyncadd.s32 $0xFFFF8000  }
0x1b0: {  	[hbm4b:s17+s3] =	stream.linear.scatter [tilespmem:s10], [sflag:$0x8], $0x8000, $0x38;
	[tilespmem:$0x18400] =	vst v63  }
0x1b1: {  	_ =	swait.ge [sflag:s12], $0x8000  }
0x1b2: {  	[sflag:s12] =	ssyncset.done $0x0  }
0x1b3: {  	[sflag:s12] =	ssyncadd.s32 $0xFFFF8000  }
0x1b4: {  	p0 =	sne.s32 s6, $0x1;
	_ =	swait.ge [sflag:s13], $0x8000  }
.Ltmp0:
0x1b5: {  	[sflag:s13] =	ssyncset.done $0x0;
	(pc) =	sbr.rel @p0 .LBB2_1-.Ltmp0, $4  }
0x1b6: {  	[sflag:s13] =	ssyncadd.s32 $0xFFFF8000  }
0x1b7: {  	_ =	swait.ge [sflag:s4], $0x8000  }
0x1b8: {  	[sflag:s4] =	ssyncset.done $0x0  }
0x1b9: {  	s6 =	sadd.s32 $0xFFFFFFFF, s6;
	[sflag:s4] =	ssyncadd.s32 $0xFFFF8000  }
0x1ba: {  	_ =	sfence.sel $0x180000  }
0x1bb: {  	[bflag:$0x0] =	sbarrier.arrive $0xFFFF  }
0x1bc: {  	_ =	strace $0x90000047  }
0x1bd: {  	s0 =	stileid.u32;
	[bflag:$0x2] =	sbarrier.arrive $0xFFFF  }
0x1be: {  	p0 =	sne.s32 s0, $0x0;
	s0 =	rddreg [dreg:$0x4]  }
0x1bf: {  	s0 =	sadd.s32 @!p0 $0x100000, s0  }
0x1c0: {  	[sflag:s0] =	ssyncadd.tile.s32 @!p0 $0x1;
	_ =	shalt  }
.Lfunc_end2:
_tile_overlayer_lowered:
.L_overlay_start_2:
0x1c1: {  	(tag) =	ssettag $0x2  }
0x1c2: {  	s0 =	rddreg [dreg:$0x0];
	s2 =	stileid.u32  }
0x1c3: {  	s1 =	rddreg [dreg:$0x1];
	p0 =	sne.s32 s2, $0x0  }
0x1c4: {  	s3 =	rddreg [dreg:$0x2];
	[bflag:$0x3] =	sbarrier.arrive $0xFFFF;
	s2 =	simm.s32 @!p0 $0x1C0B  }
0x1c5: {  	[timem:s3], [sflag:s2] =	dma.local @!p0 [hbm:s0], s1  }
0x1c6: {  	s0 =	simm.s32 @!p0 $0xB  }
0x1c7: {  	_ =	swait.ge @!p0 [sflag:s0], s1  }
0x1c8: {  	s1 =	ssub.s32 @!p0 $0x0, s1;
	[sflag:s0] =	ssyncset.done @!p0 $0x0  }
0x1c9: {  	[sflag:s0] =	ssyncadd.s32 @!p0 s1  }
0x1ca: {  	[bflag:$0x3] =	sbarrier.arrive $0xFFFF  }
0x1cb: {  	_ =	shalt  }

</sc_bundles>
